<compile_context>
chip_gen: v7x
topology: tpu7x:2x2x1
jax: 0.10.2.dev20260603
libtpu: 0.0.44.dev20260713+nightly
codegen_flags: <defaults>
</compile_context>

<pallas_src>
import jax
import jax.numpy as jnp
from jax import lax
from jax.experimental import pallas as pl
from jax.experimental.pallas import tpu as pltpu
from jax.experimental.pallas import tpu_sc as plsc

N = 10000
E = 320000
F_IN = 128
F_HID = 128
F_OUT = 64

K = 128
NW = 32
CH = 80
TOT = NW * K * CH
NP = 10240
SLAB = NP // 16

_mesh = plsc.VectorSubcoreMesh(core_axis_name="c", subcore_axis_name="s")


def _deg_body(rows_hbm, ones_hbm, zeros_hbm, out_hbm, idx_s, ones_v, hist_sh):
    c = lax.axis_index("c")
    s = lax.axis_index("s")
    wid = c * 16 + s
    pltpu.sync_copy(rows_hbm.at[pl.ds(wid * CH, CH)], idx_s)
    pltpu.sync_copy(ones_hbm, ones_v)
    pltpu.sync_copy(zeros_hbm, hist_sh.at[pl.ds(s * SLAB, SLAB)])
    plsc.subcore_barrier()

    def step(j, carry):
        pltpu.sync_copy(ones_v, hist_sh.at[idx_s.at[j]], add=True)
        return carry

    lax.fori_loop(0, CH, step, 0)
    plsc.subcore_barrier()
    pltpu.sync_copy(hist_sh.at[pl.ds(s * SLAB, SLAB)],
                    out_hbm.at[c].at[pl.ds(s * SLAB, SLAB)])


_deg_kernel = pl.kernel(
    _deg_body,
    out_type=jax.ShapeDtypeStruct((2, NP, 128), jnp.float32),
    mesh=_mesh,
    scratch_types=[
        pltpu.VMEM((CH, K), jnp.int32),
        pltpu.VMEM((K, 128), jnp.float32),
        pltpu.VMEM_SHARED((NP, 128), jnp.float32),
    ],
)


_NBUF = 2
_CHP = 40
_CH_FAST = 80
_CH_SLOW = 80
_FAST_C = 0


def _msg_body(h_hbm, rowg_hbm, cols_hbm, z_hbm, out_hbm, idx_g, idx_s,
              b0, b1, s0, s1, acc_sh):
    bufs = (b0, b1)
    sems = (s0, s1)
    c = lax.axis_index("c")
    s = lax.axis_index("s")

    @pl.when(c == 0)
    def _():
        pltpu.sync_copy(h_hbm.at[pl.ds(s * SLAB, SLAB)],
                        acc_sh.at[pl.ds(s * SLAB, SLAB)])

    @pl.when(c == 1)
    def _():
        pltpu.sync_copy(z_hbm, acc_sh.at[pl.ds(s * SLAB, SLAB)])

    plsc.subcore_barrier()

    is_fast = c == _FAST_C
    tile_base = jnp.where(is_fast, s * _CH_FAST, 16 * _CH_FAST + s * _CH_SLOW)
    nph = jnp.where(is_fast, _CH_FAST // _CHP, _CH_SLOW // _CHP)

    for p in range(_CH_FAST // _CHP):
      @pl.when(p < nph)
      def _():
        base = tile_base + p * _CHP
        pltpu.sync_copy(rowg_hbm.at[pl.ds(base, _CHP)], idx_g)
        pltpu.sync_copy(cols_hbm.at[pl.ds(base, _CHP)], idx_s)
        for b in range(_NBUF):
            pltpu.async_copy(h_hbm.at[idx_g.at[b]], bufs[b], sems[b])

        def round_(t, carry):
            j = t * _NBUF
            for b in range(_NBUF):
                jj = j + b
                pltpu.make_async_copy(h_hbm.at[idx_g.at[jj]], bufs[b],
                                      sems[b]).wait()
                pltpu.sync_copy(bufs[b], acc_sh.at[idx_s.at[jj]], add=True)

                @pl.when(jj + _NBUF < _CHP)
                def _():
                    pltpu.async_copy(h_hbm.at[idx_g.at[jj + _NBUF]], bufs[b],
                                     sems[b])
            return carry

        lax.fori_loop(0, _CHP // _NBUF, round_, 0)

    plsc.subcore_barrier()
    pltpu.sync_copy(acc_sh.at[pl.ds(s * SLAB, SLAB)],
                    out_hbm.at[c].at[pl.ds(s * SLAB, SLAB)])


def _make_msg_kernel(F):
    return pl.kernel(
        _msg_body,
        out_type=jax.ShapeDtypeStruct((2, NP, F), jnp.float32),
        mesh=_mesh,
        scratch_types=(
            [pltpu.VMEM((_CHP, K), jnp.int32),
             pltpu.VMEM((_CHP, K), jnp.int32)]
            + [pltpu.VMEM((K, F), jnp.float32)] * _NBUF
            + [pltpu.SemaphoreType.DMA] * _NBUF
            + [pltpu.VMEM_SHARED((NP, F), jnp.float32)]
        ),
    )


_msg_hid = _make_msg_kernel(F_HID)
_msg_out = _make_msg_kernel(F_HID)

_B = 640


def _dis_of(dp_ref):
    deg = dp_ref[0, :, 0] + dp_ref[1, :, 0] + 1.0
    return lax.rsqrt(deg)


def _row_mask(i):
    rows = i * _B + lax.broadcasted_iota(jnp.int32, (_B, 1), 0)
    return rows < N


def _mm1_body(x_ref, w_ref, b_ref, dp_ref, o_ref, dis_ref):
    dis = _dis_of(dp_ref)
    h = jnp.dot(x_ref[...], w_ref[...], preferred_element_type=jnp.float32)
    o_ref[...] = jnp.where(_row_mask(pl.program_id(0)),
                           (h + b_ref[...]) * dis[:, None], 0.0)
    dis_ref[...] = jnp.broadcast_to(dis[:, None], (_B, 16))


_mm1 = pl.pallas_call(
    _mm1_body,
    grid=(NP // _B,),
    in_specs=[
        pl.BlockSpec((_B, F_IN), lambda i: (i, 0)),
        pl.BlockSpec((F_IN, F_HID), lambda i: (0, 0)),
        pl.BlockSpec((1, F_HID), lambda i: (0, 0)),
        pl.BlockSpec((2, _B, 128), lambda i: (0, i, 0)),
    ],
    out_specs=[pl.BlockSpec((_B, F_HID), lambda i: (i, 0)),
               pl.BlockSpec((_B, 16), lambda i: (i, 0))],
    out_shape=[jax.ShapeDtypeStruct((NP, F_HID), jnp.float32),
               jax.ShapeDtypeStruct((NP, 16), jnp.float32)],
)


def _post1_body(a_ref, dp_ref, w_ref, b_ref, o_ref):
    dis = dp_ref[:, 0]
    z = jnp.maximum((a_ref[0] + a_ref[1]) * dis[:, None], 0.0)
    h = jnp.dot(z, w_ref[...], preferred_element_type=jnp.float32)
    o_ref[...] = jnp.where(_row_mask(pl.program_id(0)),
                           (h + b_ref[...]) * dis[:, None], 0.0)


_post1 = pl.pallas_call(
    _post1_body,
    grid=(NP // _B,),
    in_specs=[
        pl.BlockSpec((2, _B, F_HID), lambda i: (0, i, 0)),
        pl.BlockSpec((_B, 16), lambda i: (i, 0)),
        pl.BlockSpec((F_HID, F_HID), lambda i: (0, 0)),
        pl.BlockSpec((1, F_HID), lambda i: (0, 0)),
    ],
    out_specs=pl.BlockSpec((_B, F_HID), lambda i: (i, 0)),
    out_shape=jax.ShapeDtypeStruct((NP, F_HID), jnp.float32),
)


def _post2_body(a_ref, dp_ref, o_ref):
    dis = dp_ref[:, 0]
    z = (a_ref[0, :, :F_OUT] + a_ref[1, :, :F_OUT]) * dis[:, None]
    m = jnp.max(z, axis=1, keepdims=True)
    e = jnp.exp(z - m)
    o_ref[...] = (z - m) - jnp.log(jnp.sum(e, axis=1, keepdims=True))


_post2 = pl.pallas_call(
    _post2_body,
    grid=(NP // _B,),
    in_specs=[
        pl.BlockSpec((2, _B, F_HID), lambda i: (0, i, 0)),
        pl.BlockSpec((_B, 16), lambda i: (i, 0)),
    ],
    out_specs=pl.BlockSpec((_B, F_OUT), lambda i: (i, 0)),
    out_shape=jax.ShapeDtypeStruct((NP, F_OUT), jnp.float32),
)


def kernel(x, edge_index, W1, b1, W2, b2):
    row = edge_index[0]
    col = edge_index[1]
    ar = jnp.arange(TOT - E, dtype=jnp.int32)
    padz = N + (ar % (NP - N))
    padr = ar % N
    row_g = jnp.concatenate([row, padz]).reshape(TOT // K, K)
    col_s = jnp.concatenate([col, padr]).reshape(TOT // K, K)
    ones128 = jnp.ones((K, 128), jnp.float32)
    zeros128 = jnp.zeros((SLAB, 128), jnp.float32)
    x_p = jnp.pad(x, ((0, NP - N), (0, 0)))

    W2Tp = jnp.pad(W2.T, ((0, 0), (0, F_HID - F_OUT)))
    b2p = jnp.pad(b2, (0, F_HID - F_OUT))[None, :]

    deg_parts = _deg_kernel(row_g, ones128, zeros128)
    h1, dis16 = _mm1(x_p, W1.T, b1[None, :], deg_parts)
    acc1 = _msg_hid(h1, row_g, col_s, zeros128)
    h2 = _post1(acc1, dis16, W2Tp, b2p)
    acc2 = _msg_out(h2, row_g, col_s, zeros128)
    return _post2(acc2, dis16)[:N]

# --- scband reference (transcript-rebuilt; emitter-appended) ---
"""Pipeline reference for scband-gcnnet-17901423690235 (READ-ONLY COPY).

The authoritative reference and input builder live on the scoring server;
editing this copy changes nothing except your own understanding.
"""

import jax, jax.numpy as jnp
import numpy as np

N = 10000
E = 320000
F_IN = 128
F_HID = 128
F_OUT = 64


def setup_inputs(seed: int = 0) -> dict:
    key = jax.random.key(seed)
    k1, k2, k3, k4, k5, k6 = jax.random.split(key, 6)
    x = jax.random.normal(k1, (N, F_IN), dtype=jnp.float32)
    edge_index = jax.random.randint(k2, (2, E), 0, N, dtype=jnp.int32)
    # Linear layers (PyTorch nn.Linear style: y = x @ W.T + b)
    lim1 = 1.0 / np.sqrt(F_IN)
    W1 = jax.random.uniform(k3, (F_HID, F_IN), dtype=jnp.float32, minval=-lim1, maxval=lim1)
    b1 = jax.random.uniform(k4, (F_HID,), dtype=jnp.float32, minval=-lim1, maxval=lim1)
    lim2 = 1.0 / np.sqrt(F_HID)
    W2 = jax.random.uniform(k5, (F_OUT, F_HID), dtype=jnp.float32, minval=-lim2, maxval=lim2)
    b2 = jax.random.uniform(k6, (F_OUT,), dtype=jnp.float32, minval=-lim2, maxval=lim2)
    return {"x": x, "edge_index": edge_index, "W1": W1, "b1": b1, "W2": W2, "b2": b2}


def _gcn_layer(x, edge_index, W, b):
    n = x.shape[0]
    # add_self_loops
    loop = jnp.arange(n, dtype=edge_index.dtype)
    row = jnp.concatenate([edge_index[0], loop])
    col = jnp.concatenate([edge_index[1], loop])
    # linear transform
    x = x @ W.T + b
    # degree over row (source) indices, including self loops -> deg >= 1
    deg = jnp.zeros((n,), dtype=x.dtype).at[row].add(1.0)
    deg_inv_sqrt = jnp.power(deg, -0.5)
    norm = deg_inv_sqrt[row] * deg_inv_sqrt[col]
    # message: norm * x_j where x_j = x[row]; aggregate (add) at col
    msg = norm[:, None] * jnp.take(x, row, axis=0)
    out = jnp.zeros((n, x.shape[1]), dtype=x.dtype).at[col].add(msg)
    return out


def reference(x, edge_index, W1, b1, W2, b2):
    h = _gcn_layer(x, edge_index, W1, b1)
    h = jax.nn.relu(h)
    # dropout is identity at inference (eval mode)
    h = _gcn_layer(h, edge_index, W2, b2)
    return jax.nn.log_softmax(h, axis=1)

if __name__ == "__main__":
    import jax
    _d = setup_inputs()
    print(jax.jit(kernel)(*tuple(_d.values())))

</pallas_src>

<mosaic_0001>
#map = affine_map<(d0, d1) -> (0, 0)>
#map1 = affine_map<(d0, d1) -> (0, 0, 0)>
module attributes {stable_mosaic.version = 14 : i64} {
  func.func @_msg_body(%arg0: i32, %arg1: i32, %arg2: memref<10240x128xf32, #tpu.memory_space<hbm>>, %arg3: memref<2560x128xi32, #tpu.memory_space<hbm>>, %arg4: memref<2560x128xi32, #tpu.memory_space<hbm>>, %arg5: memref<640x128xf32, #tpu.memory_space<hbm>>, %arg6: memref<2x10240x128xf32, #tpu.memory_space<hbm>>, %arg7: memref<40x128xi32, #tpu.memory_space<vmem>>, %arg8: memref<40x128xi32, #tpu.memory_space<vmem>>, %arg9: memref<128x128xf32, #tpu.memory_space<vmem>>, %arg10: memref<128x128xf32, #tpu.memory_space<vmem>>, %arg11: memref<!tpu.dma_semaphore, #tpu.memory_space<semaphore_mem>>, %arg12: memref<!tpu.dma_semaphore, #tpu.memory_space<semaphore_mem>>, %arg13: memref<10240x128xf32, #tpu.memory_space<vmem_shared>>) attributes {dimension_semantics = [#tpu.dimension_semantics<core_parallel>, #tpu.dimension_semantics<subcore_parallel>], iteration_bounds = array<i64: 2, 16>, scalar_prefetch = 0 : i64, scratch_operands = 7 : i64, tpu.core_type = #tpu.core_type<sc_vector_subcore>, window_params = [{transform_indices = #map}, {transform_indices = #map}, {transform_indices = #map}, {transform_indices = #map}, {transform_indices = #map1}]} {
    %eq3A = arith.constant 0 : i32
    %eq3A_0 = arith.cmpi eq, %arg0, %eq3A : i32
    %convert_element_type3A = arith.extui %eq3A_0 : i1 to i32
    %cond3A = arith.constant 0 : i32
    %cond3A_1 = arith.cmpi ne, %convert_element_type3A, %cond3A : i32
    scf.if %cond3A_1 {
      %mul3A_29 = arith.constant 640 : i32
      %mul3A_30 = arith.muli %arg1, %mul3A_29 : i32
      %mul3A_31 = arith.constant 640 : i32
      %mul3A_32 = arith.muli %arg1, %mul3A_31 : i32
      "tpu.region"() ({
        %run_scoped3A = tpu.sem_alloc : memref<!tpu.dma_semaphore, #tpu.memory_space<semaphore_mem>>
        %dma_start3A = arith.constant 0 : i32
        %dma_start3A_33 = tpu.memref_slice %arg13[%mul3A_32, %dma_start3A] : memref<10240x128xf32, #tpu.memory_space<vmem_shared>> -> memref<640x128xf32, #tpu.memory_space<vmem_shared>>
        %dma_start3A_34 = arith.constant 0 : i32
        %dma_start3A_35 = tpu.memref_slice %arg2[%mul3A_30, %dma_start3A_34] : memref<10240x128xf32, #tpu.memory_space<hbm>> -> memref<640x128xf32, #tpu.memory_space<hbm>>
        tpu.enqueue_dma source(%dma_start3A_35 : memref<640x128xf32, #tpu.memory_space<hbm>>) target(%dma_start3A_33 : memref<640x128xf32, #tpu.memory_space<vmem_shared>>) target_semaphore(%run_scoped3A : memref<!tpu.dma_semaphore, #tpu.memory_space<semaphore_mem>>)
        %dma_wait3A = arith.constant 0 : i32
        %dma_wait3A_36 = tpu.memref_slice %arg13[%mul3A_32, %dma_wait3A] : memref<10240x128xf32, #tpu.memory_space<vmem_shared>> -> memref<640x128xf32, #tpu.memory_space<vmem_shared>>
        %dma_wait3A_37 = arith.constant 0 : i32
        %dma_wait3A_38 = tpu.memref_slice %arg2[%mul3A_30, %dma_wait3A_37] : memref<10240x128xf32, #tpu.memory_space<hbm>> -> memref<640x128xf32, #tpu.memory_space<hbm>>
        tpu.wait_dma2 semaphore(%run_scoped3A : memref<!tpu.dma_semaphore, #tpu.memory_space<semaphore_mem>>) src(%dma_wait3A_38 : memref<640x128xf32, #tpu.memory_space<hbm>>) dst(%dma_wait3A_36 : memref<640x128xf32, #tpu.memory_space<vmem_shared>>)
        tpu.yield
      }) : () -> ()
    } else {
    }
    %eq3A_2 = arith.constant 1 : i32
    %eq3A_3 = arith.cmpi eq, %arg0, %eq3A_2 : i32
    %convert_element_type3A_4 = arith.extui %eq3A_3 : i1 to i32
    %cond3A_5 = arith.constant 0 : i32
    %cond3A_6 = arith.cmpi ne, %convert_element_type3A_4, %cond3A_5 : i32
    scf.if %cond3A_6 {
      %mul3A_29 = arith.constant 640 : i32
      %mul3A_30 = arith.muli %arg1, %mul3A_29 : i32
      "tpu.region"() ({
        %run_scoped3A = tpu.sem_alloc : memref<!tpu.dma_semaphore, #tpu.memory_space<semaphore_mem>>
        %dma_start3A = arith.constant 0 : i32
        %dma_start3A_31 = tpu.memref_slice %arg13[%mul3A_30, %dma_start3A] : memref<10240x128xf32, #tpu.memory_space<vmem_shared>> -> memref<640x128xf32, #tpu.memory_space<vmem_shared>>
        tpu.enqueue_dma source(%arg5 : memref<640x128xf32, #tpu.memory_space<hbm>>) target(%dma_start3A_31 : memref<640x128xf32, #tpu.memory_space<vmem_shared>>) target_semaphore(%run_scoped3A : memref<!tpu.dma_semaphore, #tpu.memory_space<semaphore_mem>>)
        %dma_wait3A = arith.constant 0 : i32
        %dma_wait3A_32 = tpu.memref_slice %arg13[%mul3A_30, %dma_wait3A] : memref<10240x128xf32, #tpu.memory_space<vmem_shared>> -> memref<640x128xf32, #tpu.memory_space<vmem_shared>>
        tpu.wait_dma2 semaphore(%run_scoped3A : memref<!tpu.dma_semaphore, #tpu.memory_space<semaphore_mem>>) src(%arg5 : memref<640x128xf32, #tpu.memory_space<hbm>>) dst(%dma_wait3A_32 : memref<640x128xf32, #tpu.memory_space<vmem_shared>>)
        tpu.yield
      }) : () -> ()
    } else {
    }
    %barrier3A = arith.constant 0 : index
    tpu.barrier barrier_id(%barrier3A)
    %eq3A_7 = arith.constant 0 : i32
    %eq3A_8 = arith.cmpi eq, %arg0, %eq3A_7 : i32
    %mul3A = arith.constant 80 : i32
    %mul3A_9 = arith.muli %arg1, %mul3A : i32
    %mul3A_10 = arith.constant 80 : i32
    %mul3A_11 = arith.muli %arg1, %mul3A_10 : i32
    %add3A = arith.constant 1280 : i32
    %add3A_12 = arith.addi %add3A, %mul3A_11 : i32
    %select_n3A = arith.select %eq3A_8, %mul3A_9, %add3A_12 : i32
    %jit3A = arith.constant 2 : i32
    %jit3A_13 = arith.constant 2 : i32
    %select_n3A_14 = arith.select %eq3A_8, %jit3A, %jit3A_13 : i32
    %gt3A = arith.constant 0 : i32
    %gt3A_15 = arith.cmpi sgt, %select_n3A_14, %gt3A : i32
    %convert_element_type3A_16 = arith.extui %gt3A_15 : i1 to i32
    %cond3A_17 = arith.constant 0 : i32
    %cond3A_18 = arith.cmpi ne, %convert_element_type3A_16, %cond3A_17 : i32
    scf.if %cond3A_18 {
      %add3A_29 = arith.constant 0 : i32
      %add3A_30 = arith.addi %select_n3A, %add3A_29 : i32
      "tpu.region"() ({
        %run_scoped3A = tpu.sem_alloc : memref<!tpu.dma_semaphore, #tpu.memory_space<semaphore_mem>>
        %dma_start3A_49 = arith.constant 0 : i32
        %dma_start3A_50 = tpu.memref_slice %arg3[%add3A_30, %dma_start3A_49] : memref<2560x128xi32, #tpu.memory_space<hbm>> -> memref<40x128xi32, #tpu.memory_space<hbm>>
        %dma_start3A_51 = arith.constant 0 : i32
        %dma_start3A_52 = tpu.memref_slice %arg3[%add3A_30, %dma_start3A_51] : memref<2560x128xi32, #tpu.memory_space<hbm>> -> memref<40x128xi32, #tpu.memory_space<hbm>>
        tpu.enqueue_dma source(%dma_start3A_52 : memref<40x128xi32, #tpu.memory_space<hbm>>) target(%arg7 : memref<40x128xi32, #tpu.memory_space<vmem>>) target_semaphore(%run_scoped3A : memref<!tpu.dma_semaphore, #tpu.memory_space<semaphore_mem>>)
        %dma_wait3A = arith.constant 0 : i32
        %dma_wait3A_53 = tpu.memref_slice %arg3[%add3A_30, %dma_wait3A] : memref<2560x128xi32, #tpu.memory_space<hbm>> -> memref<40x128xi32, #tpu.memory_space<hbm>>
        %dma_wait3A_54 = arith.constant 0 : i32
        %dma_wait3A_55 = tpu.memref_slice %arg3[%add3A_30, %dma_wait3A_54] : memref<2560x128xi32, #tpu.memory_space<hbm>> -> memref<40x128xi32, #tpu.memory_space<hbm>>
        tpu.wait_dma2 semaphore(%run_scoped3A : memref<!tpu.dma_semaphore, #tpu.memory_space<semaphore_mem>>) src(%dma_wait3A_55 : memref<40x128xi32, #tpu.memory_space<hbm>>) dst(%arg7 : memref<40x128xi32, #tpu.memory_space<vmem>>)
        tpu.yield
      }) : () -> ()
      "tpu.region"() ({
        %run_scoped3A = tpu.sem_alloc : memref<!tpu.dma_semaphore, #tpu.memory_space<semaphore_mem>>
        %dma_start3A_49 = arith.constant 0 : i32
        %dma_start3A_50 = tpu.memref_slice %arg4[%add3A_30, %dma_start3A_49] : memref<2560x128xi32, #tpu.memory_space<hbm>> -> memref<40x128xi32, #tpu.memory_space<hbm>>
        %dma_start3A_51 = arith.constant 0 : i32
        %dma_start3A_52 = tpu.memref_slice %arg4[%add3A_30, %dma_start3A_51] : memref<2560x128xi32, #tpu.memory_space<hbm>> -> memref<40x128xi32, #tpu.memory_space<hbm>>
        tpu.enqueue_dma source(%dma_start3A_52 : memref<40x128xi32, #tpu.memory_space<hbm>>) target(%arg8 : memref<40x128xi32, #tpu.memory_space<vmem>>) target_semaphore(%run_scoped3A : memref<!tpu.dma_semaphore, #tpu.memory_space<semaphore_mem>>)
        %dma_wait3A = arith.constant 0 : i32
        %dma_wait3A_53 = tpu.memref_slice %arg4[%add3A_30, %dma_wait3A] : memref<2560x128xi32, #tpu.memory_space<hbm>> -> memref<40x128xi32, #tpu.memory_space<hbm>>
        %dma_wait3A_54 = arith.constant 0 : i32
        %dma_wait3A_55 = tpu.memref_slice %arg4[%add3A_30, %dma_wait3A_54] : memref<2560x128xi32, #tpu.memory_space<hbm>> -> memref<40x128xi32, #tpu.memory_space<hbm>>
        tpu.wait_dma2 semaphore(%run_scoped3A : memref<!tpu.dma_semaphore, #tpu.memory_space<semaphore_mem>>) src(%dma_wait3A_55 : memref<40x128xi32, #tpu.memory_space<hbm>>) dst(%arg8 : memref<40x128xi32, #tpu.memory_space<vmem>>)
        tpu.yield
      }) : () -> ()
      %dma_start3A = arith.constant 0 : i32
      %dma_start3A_31 = arith.constant 0 : i32
      %dma_start3A_32 = tpu.memref_slice %arg7[%dma_start3A, %dma_start3A_31] : memref<40x128xi32, #tpu.memory_space<vmem>> -> memref<1x128xi32, #tpu.memory_space<vmem>>
      %dma_start3A_33 = tpu.memref_squeeze %dma_start3A_32 : memref<1x128xi32, #tpu.memory_space<vmem>> -> memref<128xi32, #tpu.memory_space<vmem>>
      %dma_start3A_34 = arith.constant 0 : i32
      %dma_start3A_35 = arith.constant 0 : i32
      %dma_start3A_36 = tpu.memref_slice %arg2[%dma_start3A_34, %dma_start3A_35] : memref<10240x128xf32, #tpu.memory_space<hbm>> -> memref<10240x128xf32, #tpu.memory_space<hbm>>
      tpu.enqueue_indirect_dma source(%dma_start3A_36 : memref<10240x128xf32, #tpu.memory_space<hbm>>) target(%arg9 : memref<128x128xf32, #tpu.memory_space<vmem>>) offsets(%dma_start3A_33 : memref<128xi32, #tpu.memory_space<vmem>>) semaphore(%arg11 : memref<!tpu.dma_semaphore, #tpu.memory_space<semaphore_mem>>)
      %dma_start3A_37 = arith.constant 1 : i32
      %dma_start3A_38 = arith.constant 0 : i32
      %dma_start3A_39 = tpu.memref_slice %arg7[%dma_start3A_37, %dma_start3A_38] : memref<40x128xi32, #tpu.memory_space<vmem>> -> memref<1x128xi32, #tpu.memory_space<vmem>>
      %dma_start3A_40 = tpu.memref_squeeze %dma_start3A_39 : memref<1x128xi32, #tpu.memory_space<vmem>> -> memref<128xi32, #tpu.memory_space<vmem>>
      %dma_start3A_41 = arith.constant 0 : i32
      %dma_start3A_42 = arith.constant 0 : i32
      %dma_start3A_43 = tpu.memref_slice %arg2[%dma_start3A_41, %dma_start3A_42] : memref<10240x128xf32, #tpu.memory_space<hbm>> -> memref<10240x128xf32, #tpu.memory_space<hbm>>
      tpu.enqueue_indirect_dma source(%dma_start3A_43 : memref<10240x128xf32, #tpu.memory_space<hbm>>) target(%arg10 : memref<128x128xf32, #tpu.memory_space<vmem>>) offsets(%dma_start3A_40 : memref<128xi32, #tpu.memory_space<vmem>>) semaphore(%arg12 : memref<!tpu.dma_semaphore, #tpu.memory_space<semaphore_mem>>)
      %scan3A = arith.constant 0 : i32
      %scan3A_44 = arith.constant 0 : i32
      %scan3A_45 = arith.constant 20 : i32
      %scan3A_46 = arith.addi %scan3A_44, %scan3A_45 : i32
      %scan3A_47 = arith.constant 1 : i32
      scf.for %scan3A_49 = %scan3A_44 to %scan3A_46 step %scan3A_47  : i32 {
        %mul3A_50 = arith.constant 2 : i32
        %mul3A_51 = arith.muli %scan3A_49, %mul3A_50 : i32
        %add3A_52 = arith.constant 0 : i32
        %add3A_53 = arith.addi %mul3A_51, %add3A_52 : i32
        %dma_wait3A = arith.constant 0 : i32
        %dma_wait3A_54 = tpu.memref_slice %arg7[%add3A_53, %dma_wait3A] : memref<40x128xi32, #tpu.memory_space<vmem>> -> memref<1x128xi32, #tpu.memory_space<vmem>>
        %dma_wait3A_55 = tpu.memref_squeeze %dma_wait3A_54 : memref<1x128xi32, #tpu.memory_space<vmem>> -> memref<128xi32, #tpu.memory_space<vmem>>
        %dma_wait3A_56 = arith.constant 0 : i32
        %dma_wait3A_57 = arith.constant 0 : i32
        %dma_wait3A_58 = tpu.memref_slice %arg2[%dma_wait3A_56, %dma_wait3A_57] : memref<10240x128xf32, #tpu.memory_space<hbm>> -> memref<10240x128xf32, #tpu.memory_space<hbm>>
        tpu.wait_indirect_dma semaphore(%arg11 : memref<!tpu.dma_semaphore, #tpu.memory_space<semaphore_mem>>) src(%dma_wait3A_58 : memref<10240x128xf32, #tpu.memory_space<hbm>>) dst(%arg9 : memref<128x128xf32, #tpu.memory_space<vmem>>)
        "tpu.region"() ({
          %run_scoped3A = tpu.sem_alloc : memref<!tpu.dma_semaphore, #tpu.memory_space<semaphore_mem>>
          %dma_start3A_80 = arith.constant 0 : i32
          %dma_start3A_81 = tpu.memref_slice %arg8[%add3A_53, %dma_start3A_80] : memref<40x128xi32, #tpu.memory_space<vmem>> -> memref<1x128xi32, #tpu.memory_space<vmem>>
          %dma_start3A_82 = tpu.memref_squeeze %dma_start3A_81 : memref<1x128xi32, #tpu.memory_space<vmem>> -> memref<128xi32, #tpu.memory_space<vmem>>
          %dma_start3A_83 = arith.constant 0 : i32
          %dma_start3A_84 = arith.constant 0 : i32
          %dma_start3A_85 = tpu.memref_slice %arg13[%dma_start3A_83, %dma_start3A_84] : memref<10240x128xf32, #tpu.memory_space<vmem_shared>> -> memref<10240x128xf32, #tpu.memory_space<vmem_shared>>
          tpu.enqueue_indirect_dma source(%arg9 : memref<128x128xf32, #tpu.memory_space<vmem>>) target(%dma_start3A_85 : memref<10240x128xf32, #tpu.memory_space<vmem_shared>>) offsets(%dma_start3A_82 : memref<128xi32, #tpu.memory_space<vmem>>) semaphore(%run_scoped3A : memref<!tpu.dma_semaphore, #tpu.memory_space<semaphore_mem>>) {add = true}
          %dma_wait3A_86 = arith.constant 0 : i32
          %dma_wait3A_87 = tpu.memref_slice %arg8[%add3A_53, %dma_wait3A_86] : memref<40x128xi32, #tpu.memory_space<vmem>> -> memref<1x128xi32, #tpu.memory_space<vmem>>
          %dma_wait3A_88 = tpu.memref_squeeze %dma_wait3A_87 : memref<1x128xi32, #tpu.memory_space<vmem>> -> memref<128xi32, #tpu.memory_space<vmem>>
          %dma_wait3A_89 = arith.constant 0 : i32
          %dma_wait3A_90 = arith.constant 0 : i32
          %dma_wait3A_91 = tpu.memref_slice %arg13[%dma_wait3A_89, %dma_wait3A_90] : memref<10240x128xf32, #tpu.memory_space<vmem_shared>> -> memref<10240x128xf32, #tpu.memory_space<vmem_shared>>
          tpu.wait_indirect_dma semaphore(%run_scoped3A : memref<!tpu.dma_semaphore, #tpu.memory_space<semaphore_mem>>) src(%arg9 : memref<128x128xf32, #tpu.memory_space<vmem>>) dst(%dma_wait3A_91 : memref<10240x128xf32, #tpu.memory_space<vmem_shared>>)
          tpu.yield
        }) : () -> ()
        %add3A_59 = arith.constant 2 : i32
        %add3A_60 = arith.addi %add3A_53, %add3A_59 : i32
        %lt3A = arith.constant 40 : i32
        %lt3A_61 = arith.cmpi slt, %add3A_60, %lt3A : i32
        %convert_element_type3A_62 = arith.extui %lt3A_61 : i1 to i32
        %cond3A_63 = arith.constant 0 : i32
        %cond3A_64 = arith.cmpi ne, %convert_element_type3A_62, %cond3A_63 : i32
        scf.if %cond3A_64 {
          %add3A_80 = arith.constant 2 : i32
          %add3A_81 = arith.addi %add3A_53, %add3A_80 : i32
          %dma_start3A_82 = arith.constant 0 : i32
          %dma_start3A_83 = tpu.memref_slice %arg7[%add3A_81, %dma_start3A_82] : memref<40x128xi32, #tpu.memory_space<vmem>> -> memref<1x128xi32, #tpu.memory_space<vmem>>
          %dma_start3A_84 = tpu.memref_squeeze %dma_start3A_83 : memref<1x128xi32, #tpu.memory_space<vmem>> -> memref<128xi32, #tpu.memory_space<vmem>>
          %dma_start3A_85 = arith.constant 0 : i32
          %dma_start3A_86 = arith.constant 0 : i32
          %dma_start3A_87 = tpu.memref_slice %arg2[%dma_start3A_85, %dma_start3A_86] : memref<10240x128xf32, #tpu.memory_space<hbm>> -> memref<10240x128xf32, #tpu.memory_space<hbm>>
          tpu.enqueue_indirect_dma source(%dma_start3A_87 : memref<10240x128xf32, #tpu.memory_space<hbm>>) target(%arg9 : memref<128x128xf32, #tpu.memory_space<vmem>>) offsets(%dma_start3A_84 : memref<128xi32, #tpu.memory_space<vmem>>) semaphore(%arg11 : memref<!tpu.dma_semaphore, #tpu.memory_space<semaphore_mem>>)
        } else {
        }
        %add3A_65 = arith.constant 1 : i32
        %add3A_66 = arith.addi %mul3A_51, %add3A_65 : i32
        %dma_wait3A_67 = arith.constant 0 : i32
        %dma_wait3A_68 = tpu.memref_slice %arg7[%add3A_66, %dma_wait3A_67] : memref<40x128xi32, #tpu.memory_space<vmem>> -> memref<1x128xi32, #tpu.memory_space<vmem>>
        %dma_wait3A_69 = tpu.memref_squeeze %dma_wait3A_68 : memref<1x128xi32, #tpu.memory_space<vmem>> -> memref<128xi32, #tpu.memory_space<vmem>>
        %dma_wait3A_70 = arith.constant 0 : i32
        %dma_wait3A_71 = arith.constant 0 : i32
        %dma_wait3A_72 = tpu.memref_slice %arg2[%dma_wait3A_70, %dma_wait3A_71] : memref<10240x128xf32, #tpu.memory_space<hbm>> -> memref<10240x128xf32, #tpu.memory_space<hbm>>
        tpu.wait_indirect_dma semaphore(%arg12 : memref<!tpu.dma_semaphore, #tpu.memory_space<semaphore_mem>>) src(%dma_wait3A_72 : memref<10240x128xf32, #tpu.memory_space<hbm>>) dst(%arg10 : memref<128x128xf32, #tpu.memory_space<vmem>>)
        "tpu.region"() ({
          %run_scoped3A = tpu.sem_alloc : memref<!tpu.dma_semaphore, #tpu.memory_space<semaphore_mem>>
          %dma_start3A_80 = arith.constant 0 : i32
          %dma_start3A_81 = tpu.memref_slice %arg8[%add3A_66, %dma_start3A_80] : memref<40x128xi32, #tpu.memory_space<vmem>> -> memref<1x128xi32, #tpu.memory_space<vmem>>
          %dma_start3A_82 = tpu.memref_squeeze %dma_start3A_81 : memref<1x128xi32, #tpu.memory_space<vmem>> -> memref<128xi32, #tpu.memory_space<vmem>>
          %dma_start3A_83 = arith.constant 0 : i32
          %dma_start3A_84 = arith.constant 0 : i32
          %dma_start3A_85 = tpu.memref_slice %arg13[%dma_start3A_83, %dma_start3A_84] : memref<10240x128xf32, #tpu.memory_space<vmem_shared>> -> memref<10240x128xf32, #tpu.memory_space<vmem_shared>>
          tpu.enqueue_indirect_dma source(%arg10 : memref<128x128xf32, #tpu.memory_space<vmem>>) target(%dma_start3A_85 : memref<10240x128xf32, #tpu.memory_space<vmem_shared>>) offsets(%dma_start3A_82 : memref<128xi32, #tpu.memory_space<vmem>>) semaphore(%run_scoped3A : memref<!tpu.dma_semaphore, #tpu.memory_space<semaphore_mem>>) {add = true}
          %dma_wait3A_86 = arith.constant 0 : i32
          %dma_wait3A_87 = tpu.memref_slice %arg8[%add3A_66, %dma_wait3A_86] : memref<40x128xi32, #tpu.memory_space<vmem>> -> memref<1x128xi32, #tpu.memory_space<vmem>>
          %dma_wait3A_88 = tpu.memref_squeeze %dma_wait3A_87 : memref<1x128xi32, #tpu.memory_space<vmem>> -> memref<128xi32, #tpu.memory_space<vmem>>
          %dma_wait3A_89 = arith.constant 0 : i32
          %dma_wait3A_90 = arith.constant 0 : i32
          %dma_wait3A_91 = tpu.memref_slice %arg13[%dma_wait3A_89, %dma_wait3A_90] : memref<10240x128xf32, #tpu.memory_space<vmem_shared>> -> memref<10240x128xf32, #tpu.memory_space<vmem_shared>>
          tpu.wait_indirect_dma semaphore(%run_scoped3A : memref<!tpu.dma_semaphore, #tpu.memory_space<semaphore_mem>>) src(%arg10 : memref<128x128xf32, #tpu.memory_space<vmem>>) dst(%dma_wait3A_91 : memref<10240x128xf32, #tpu.memory_space<vmem_shared>>)
          tpu.yield
        }) : () -> ()
        %add3A_73 = arith.constant 2 : i32
        %add3A_74 = arith.addi %add3A_66, %add3A_73 : i32
        %lt3A_75 = arith.constant 40 : i32
        %lt3A_76 = arith.cmpi slt, %add3A_74, %lt3A_75 : i32
        %convert_element_type3A_77 = arith.extui %lt3A_76 : i1 to i32
        %cond3A_78 = arith.constant 0 : i32
        %cond3A_79 = arith.cmpi ne, %convert_element_type3A_77, %cond3A_78 : i32
        scf.if %cond3A_79 {
          %add3A_80 = arith.constant 2 : i32
          %add3A_81 = arith.addi %add3A_66, %add3A_80 : i32
          %dma_start3A_82 = arith.constant 0 : i32
          %dma_start3A_83 = tpu.memref_slice %arg7[%add3A_81, %dma_start3A_82] : memref<40x128xi32, #tpu.memory_space<vmem>> -> memref<1x128xi32, #tpu.memory_space<vmem>>
          %dma_start3A_84 = tpu.memref_squeeze %dma_start3A_83 : memref<1x128xi32, #tpu.memory_space<vmem>> -> memref<128xi32, #tpu.memory_space<vmem>>
          %dma_start3A_85 = arith.constant 0 : i32
          %dma_start3A_86 = arith.constant 0 : i32
          %dma_start3A_87 = tpu.memref_slice %arg2[%dma_start3A_85, %dma_start3A_86] : memref<10240x128xf32, #tpu.memory_space<hbm>> -> memref<10240x128xf32, #tpu.memory_space<hbm>>
          tpu.enqueue_indirect_dma source(%dma_start3A_87 : memref<10240x128xf32, #tpu.memory_space<hbm>>) target(%arg10 : memref<128x128xf32, #tpu.memory_space<vmem>>) offsets(%dma_start3A_84 : memref<128xi32, #tpu.memory_space<vmem>>) semaphore(%arg12 : memref<!tpu.dma_semaphore, #tpu.memory_space<semaphore_mem>>)
        } else {
        }
      }
      %scan3A_48 = arith.constant 20 : i32
    } else {
    }
    %gt3A_19 = arith.constant 1 : i32
    %gt3A_20 = arith.cmpi sgt, %select_n3A_14, %gt3A_19 : i32
    %convert_element_type3A_21 = arith.extui %gt3A_20 : i1 to i32
    %cond3A_22 = arith.constant 0 : i32
    %cond3A_23 = arith.cmpi ne, %convert_element_type3A_21, %cond3A_22 : i32
    scf.if %cond3A_23 {
      %add3A_29 = arith.constant 40 : i32
      %add3A_30 = arith.addi %select_n3A, %add3A_29 : i32
      "tpu.region"() ({
        %run_scoped3A = tpu.sem_alloc : memref<!tpu.dma_semaphore, #tpu.memory_space<semaphore_mem>>
        %dma_start3A_49 = arith.constant 0 : i32
        %dma_start3A_50 = tpu.memref_slice %arg3[%add3A_30, %dma_start3A_49] : memref<2560x128xi32, #tpu.memory_space<hbm>> -> memref<40x128xi32, #tpu.memory_space<hbm>>
        %dma_start3A_51 = arith.constant 0 : i32
        %dma_start3A_52 = tpu.memref_slice %arg3[%add3A_30, %dma_start3A_51] : memref<2560x128xi32, #tpu.memory_space<hbm>> -> memref<40x128xi32, #tpu.memory_space<hbm>>
        tpu.enqueue_dma source(%dma_start3A_52 : memref<40x128xi32, #tpu.memory_space<hbm>>) target(%arg7 : memref<40x128xi32, #tpu.memory_space<vmem>>) target_semaphore(%run_scoped3A : memref<!tpu.dma_semaphore, #tpu.memory_space<semaphore_mem>>)
        %dma_wait3A = arith.constant 0 : i32
        %dma_wait3A_53 = tpu.memref_slice %arg3[%add3A_30, %dma_wait3A] : memref<2560x128xi32, #tpu.memory_space<hbm>> -> memref<40x128xi32, #tpu.memory_space<hbm>>
        %dma_wait3A_54 = arith.constant 0 : i32
        %dma_wait3A_55 = tpu.memref_slice %arg3[%add3A_30, %dma_wait3A_54] : memref<2560x128xi32, #tpu.memory_space<hbm>> -> memref<40x128xi32, #tpu.memory_space<hbm>>
        tpu.wait_dma2 semaphore(%run_scoped3A : memref<!tpu.dma_semaphore, #tpu.memory_space<semaphore_mem>>) src(%dma_wait3A_55 : memref<40x128xi32, #tpu.memory_space<hbm>>) dst(%arg7 : memref<40x128xi32, #tpu.memory_space<vmem>>)
        tpu.yield
      }) : () -> ()
      "tpu.region"() ({
        %run_scoped3A = tpu.sem_alloc : memref<!tpu.dma_semaphore, #tpu.memory_space<semaphore_mem>>
        %dma_start3A_49 = arith.constant 0 : i32
        %dma_start3A_50 = tpu.memref_slice %arg4[%add3A_30, %dma_start3A_49] : memref<2560x128xi32, #tpu.memory_space<hbm>> -> memref<40x128xi32, #tpu.memory_space<hbm>>
        %dma_start3A_51 = arith.constant 0 : i32
        %dma_start3A_52 = tpu.memref_slice %arg4[%add3A_30, %dma_start3A_51] : memref<2560x128xi32, #tpu.memory_space<hbm>> -> memref<40x128xi32, #tpu.memory_space<hbm>>
        tpu.enqueue_dma source(%dma_start3A_52 : memref<40x128xi32, #tpu.memory_space<hbm>>) target(%arg8 : memref<40x128xi32, #tpu.memory_space<vmem>>) target_semaphore(%run_scoped3A : memref<!tpu.dma_semaphore, #tpu.memory_space<semaphore_mem>>)
        %dma_wait3A = arith.constant 0 : i32
        %dma_wait3A_53 = tpu.memref_slice %arg4[%add3A_30, %dma_wait3A] : memref<2560x128xi32, #tpu.memory_space<hbm>> -> memref<40x128xi32, #tpu.memory_space<hbm>>
        %dma_wait3A_54 = arith.constant 0 : i32
        %dma_wait3A_55 = tpu.memref_slice %arg4[%add3A_30, %dma_wait3A_54] : memref<2560x128xi32, #tpu.memory_space<hbm>> -> memref<40x128xi32, #tpu.memory_space<hbm>>
        tpu.wait_dma2 semaphore(%run_scoped3A : memref<!tpu.dma_semaphore, #tpu.memory_space<semaphore_mem>>) src(%dma_wait3A_55 : memref<40x128xi32, #tpu.memory_space<hbm>>) dst(%arg8 : memref<40x128xi32, #tpu.memory_space<vmem>>)
        tpu.yield
      }) : () -> ()
      %dma_start3A = arith.constant 0 : i32
      %dma_start3A_31 = arith.constant 0 : i32
      %dma_start3A_32 = tpu.memref_slice %arg7[%dma_start3A, %dma_start3A_31] : memref<40x128xi32, #tpu.memory_space<vmem>> -> memref<1x128xi32, #tpu.memory_space<vmem>>
      %dma_start3A_33 = tpu.memref_squeeze %dma_start3A_32 : memref<1x128xi32, #tpu.memory_space<vmem>> -> memref<128xi32, #tpu.memory_space<vmem>>
      %dma_start3A_34 = arith.constant 0 : i32
      %dma_start3A_35 = arith.constant 0 : i32
      %dma_start3A_36 = tpu.memref_slice %arg2[%dma_start3A_34, %dma_start3A_35] : memref<10240x128xf32, #tpu.memory_space<hbm>> -> memref<10240x128xf32, #tpu.memory_space<hbm>>
      tpu.enqueue_indirect_dma source(%dma_start3A_36 : memref<10240x128xf32, #tpu.memory_space<hbm>>) target(%arg9 : memref<128x128xf32, #tpu.memory_space<vmem>>) offsets(%dma_start3A_33 : memref<128xi32, #tpu.memory_space<vmem>>) semaphore(%arg11 : memref<!tpu.dma_semaphore, #tpu.memory_space<semaphore_mem>>)
      %dma_start3A_37 = arith.constant 1 : i32
      %dma_start3A_38 = arith.constant 0 : i32
      %dma_start3A_39 = tpu.memref_slice %arg7[%dma_start3A_37, %dma_start3A_38] : memref<40x128xi32, #tpu.memory_space<vmem>> -> memref<1x128xi32, #tpu.memory_space<vmem>>
      %dma_start3A_40 = tpu.memref_squeeze %dma_start3A_39 : memref<1x128xi32, #tpu.memory_space<vmem>> -> memref<128xi32, #tpu.memory_space<vmem>>
      %dma_start3A_41 = arith.constant 0 : i32
      %dma_start3A_42 = arith.constant 0 : i32
      %dma_start3A_43 = tpu.memref_slice %arg2[%dma_start3A_41, %dma_start3A_42] : memref<10240x128xf32, #tpu.memory_space<hbm>> -> memref<10240x128xf32, #tpu.memory_space<hbm>>
      tpu.enqueue_indirect_dma source(%dma_start3A_43 : memref<10240x128xf32, #tpu.memory_space<hbm>>) target(%arg10 : memref<128x128xf32, #tpu.memory_space<vmem>>) offsets(%dma_start3A_40 : memref<128xi32, #tpu.memory_space<vmem>>) semaphore(%arg12 : memref<!tpu.dma_semaphore, #tpu.memory_space<semaphore_mem>>)
      %scan3A = arith.constant 0 : i32
      %scan3A_44 = arith.constant 0 : i32
      %scan3A_45 = arith.constant 20 : i32
      %scan3A_46 = arith.addi %scan3A_44, %scan3A_45 : i32
      %scan3A_47 = arith.constant 1 : i32
      scf.for %scan3A_49 = %scan3A_44 to %scan3A_46 step %scan3A_47  : i32 {
        %mul3A_50 = arith.constant 2 : i32
        %mul3A_51 = arith.muli %scan3A_49, %mul3A_50 : i32
        %add3A_52 = arith.constant 0 : i32
        %add3A_53 = arith.addi %mul3A_51, %add3A_52 : i32
        %dma_wait3A = arith.constant 0 : i32
        %dma_wait3A_54 = tpu.memref_slice %arg7[%add3A_53, %dma_wait3A] : memref<40x128xi32, #tpu.memory_space<vmem>> -> memref<1x128xi32, #tpu.memory_space<vmem>>
        %dma_wait3A_55 = tpu.memref_squeeze %dma_wait3A_54 : memref<1x128xi32, #tpu.memory_space<vmem>> -> memref<128xi32, #tpu.memory_space<vmem>>
        %dma_wait3A_56 = arith.constant 0 : i32
        %dma_wait3A_57 = arith.constant 0 : i32
        %dma_wait3A_58 = tpu.memref_slice %arg2[%dma_wait3A_56, %dma_wait3A_57] : memref<10240x128xf32, #tpu.memory_space<hbm>> -> memref<10240x128xf32, #tpu.memory_space<hbm>>
        tpu.wait_indirect_dma semaphore(%arg11 : memref<!tpu.dma_semaphore, #tpu.memory_space<semaphore_mem>>) src(%dma_wait3A_58 : memref<10240x128xf32, #tpu.memory_space<hbm>>) dst(%arg9 : memref<128x128xf32, #tpu.memory_space<vmem>>)
        "tpu.region"() ({
          %run_scoped3A = tpu.sem_alloc : memref<!tpu.dma_semaphore, #tpu.memory_space<semaphore_mem>>
          %dma_start3A_80 = arith.constant 0 : i32
          %dma_start3A_81 = tpu.memref_slice %arg8[%add3A_53, %dma_start3A_80] : memref<40x128xi32, #tpu.memory_space<vmem>> -> memref<1x128xi32, #tpu.memory_space<vmem>>
          %dma_start3A_82 = tpu.memref_squeeze %dma_start3A_81 : memref<1x128xi32, #tpu.memory_space<vmem>> -> memref<128xi32, #tpu.memory_space<vmem>>
          %dma_start3A_83 = arith.constant 0 : i32
          %dma_start3A_84 = arith.constant 0 : i32
          %dma_start3A_85 = tpu.memref_slice %arg13[%dma_start3A_83, %dma_start3A_84] : memref<10240x128xf32, #tpu.memory_space<vmem_shared>> -> memref<10240x128xf32, #tpu.memory_space<vmem_shared>>
          tpu.enqueue_indirect_dma source(%arg9 : memref<128x128xf32, #tpu.memory_space<vmem>>) target(%dma_start3A_85 : memref<10240x128xf32, #tpu.memory_space<vmem_shared>>) offsets(%dma_start3A_82 : memref<128xi32, #tpu.memory_space<vmem>>) semaphore(%run_scoped3A : memref<!tpu.dma_semaphore, #tpu.memory_space<semaphore_mem>>) {add = true}
          %dma_wait3A_86 = arith.constant 0 : i32
          %dma_wait3A_87 = tpu.memref_slice %arg8[%add3A_53, %dma_wait3A_86] : memref<40x128xi32, #tpu.memory_space<vmem>> -> memref<1x128xi32, #tpu.memory_space<vmem>>
          %dma_wait3A_88 = tpu.memref_squeeze %dma_wait3A_87 : memref<1x128xi32, #tpu.memory_space<vmem>> -> memref<128xi32, #tpu.memory_space<vmem>>
          %dma_wait3A_89 = arith.constant 0 : i32
          %dma_wait3A_90 = arith.constant 0 : i32
          %dma_wait3A_91 = tpu.memref_slice %arg13[%dma_wait3A_89, %dma_wait3A_90] : memref<10240x128xf32, #tpu.memory_space<vmem_shared>> -> memref<10240x128xf32, #tpu.memory_space<vmem_shared>>
          tpu.wait_indirect_dma semaphore(%run_scoped3A : memref<!tpu.dma_semaphore, #tpu.memory_space<semaphore_mem>>) src(%arg9 : memref<128x128xf32, #tpu.memory_space<vmem>>) dst(%dma_wait3A_91 : memref<10240x128xf32, #tpu.memory_space<vmem_shared>>)
          tpu.yield
        }) : () -> ()
        %add3A_59 = arith.constant 2 : i32
        %add3A_60 = arith.addi %add3A_53, %add3A_59 : i32
        %lt3A = arith.constant 40 : i32
        %lt3A_61 = arith.cmpi slt, %add3A_60, %lt3A : i32
        %convert_element_type3A_62 = arith.extui %lt3A_61 : i1 to i32
        %cond3A_63 = arith.constant 0 : i32
        %cond3A_64 = arith.cmpi ne, %convert_element_type3A_62, %cond3A_63 : i32
        scf.if %cond3A_64 {
          %add3A_80 = arith.constant 2 : i32
          %add3A_81 = arith.addi %add3A_53, %add3A_80 : i32
          %dma_start3A_82 = arith.constant 0 : i32
          %dma_start3A_83 = tpu.memref_slice %arg7[%add3A_81, %dma_start3A_82] : memref<40x128xi32, #tpu.memory_space<vmem>> -> memref<1x128xi32, #tpu.memory_space<vmem>>
          %dma_start3A_84 = tpu.memref_squeeze %dma_start3A_83 : memref<1x128xi32, #tpu.memory_space<vmem>> -> memref<128xi32, #tpu.memory_space<vmem>>
          %dma_start3A_85 = arith.constant 0 : i32
          %dma_start3A_86 = arith.constant 0 : i32
          %dma_start3A_87 = tpu.memref_slice %arg2[%dma_start3A_85, %dma_start3A_86] : memref<10240x128xf32, #tpu.memory_space<hbm>> -> memref<10240x128xf32, #tpu.memory_space<hbm>>
          tpu.enqueue_indirect_dma source(%dma_start3A_87 : memref<10240x128xf32, #tpu.memory_space<hbm>>) target(%arg9 : memref<128x128xf32, #tpu.memory_space<vmem>>) offsets(%dma_start3A_84 : memref<128xi32, #tpu.memory_space<vmem>>) semaphore(%arg11 : memref<!tpu.dma_semaphore, #tpu.memory_space<semaphore_mem>>)
        } else {
        }
        %add3A_65 = arith.constant 1 : i32
        %add3A_66 = arith.addi %mul3A_51, %add3A_65 : i32
        %dma_wait3A_67 = arith.constant 0 : i32
        %dma_wait3A_68 = tpu.memref_slice %arg7[%add3A_66, %dma_wait3A_67] : memref<40x128xi32, #tpu.memory_space<vmem>> -> memref<1x128xi32, #tpu.memory_space<vmem>>
        %dma_wait3A_69 = tpu.memref_squeeze %dma_wait3A_68 : memref<1x128xi32, #tpu.memory_space<vmem>> -> memref<128xi32, #tpu.memory_space<vmem>>
        %dma_wait3A_70 = arith.constant 0 : i32
        %dma_wait3A_71 = arith.constant 0 : i32
        %dma_wait3A_72 = tpu.memref_slice %arg2[%dma_wait3A_70, %dma_wait3A_71] : memref<10240x128xf32, #tpu.memory_space<hbm>> -> memref<10240x128xf32, #tpu.memory_space<hbm>>
        tpu.wait_indirect_dma semaphore(%arg12 : memref<!tpu.dma_semaphore, #tpu.memory_space<semaphore_mem>>) src(%dma_wait3A_72 : memref<10240x128xf32, #tpu.memory_space<hbm>>) dst(%arg10 : memref<128x128xf32, #tpu.memory_space<vmem>>)
        "tpu.region"() ({
          %run_scoped3A = tpu.sem_alloc : memref<!tpu.dma_semaphore, #tpu.memory_space<semaphore_mem>>
          %dma_start3A_80 = arith.constant 0 : i32
          %dma_start3A_81 = tpu.memref_slice %arg8[%add3A_66, %dma_start3A_80] : memref<40x128xi32, #tpu.memory_space<vmem>> -> memref<1x128xi32, #tpu.memory_space<vmem>>
          %dma_start3A_82 = tpu.memref_squeeze %dma_start3A_81 : memref<1x128xi32, #tpu.memory_space<vmem>> -> memref<128xi32, #tpu.memory_space<vmem>>
          %dma_start3A_83 = arith.constant 0 : i32
          %dma_start3A_84 = arith.constant 0 : i32
          %dma_start3A_85 = tpu.memref_slice %arg13[%dma_start3A_83, %dma_start3A_84] : memref<10240x128xf32, #tpu.memory_space<vmem_shared>> -> memref<10240x128xf32, #tpu.memory_space<vmem_shared>>
          tpu.enqueue_indirect_dma source(%arg10 : memref<128x128xf32, #tpu.memory_space<vmem>>) target(%dma_start3A_85 : memref<10240x128xf32, #tpu.memory_space<vmem_shared>>) offsets(%dma_start3A_82 : memref<128xi32, #tpu.memory_space<vmem>>) semaphore(%run_scoped3A : memref<!tpu.dma_semaphore, #tpu.memory_space<semaphore_mem>>) {add = true}
          %dma_wait3A_86 = arith.constant 0 : i32
          %dma_wait3A_87 = tpu.memref_slice %arg8[%add3A_66, %dma_wait3A_86] : memref<40x128xi32, #tpu.memory_space<vmem>> -> memref<1x128xi32, #tpu.memory_space<vmem>>
          %dma_wait3A_88 = tpu.memref_squeeze %dma_wait3A_87 : memref<1x128xi32, #tpu.memory_space<vmem>> -> memref<128xi32, #tpu.memory_space<vmem>>
          %dma_wait3A_89 = arith.constant 0 : i32
          %dma_wait3A_90 = arith.constant 0 : i32
          %dma_wait3A_91 = tpu.memref_slice %arg13[%dma_wait3A_89, %dma_wait3A_90] : memref<10240x128xf32, #tpu.memory_space<vmem_shared>> -> memref<10240x128xf32, #tpu.memory_space<vmem_shared>>
          tpu.wait_indirect_dma semaphore(%run_scoped3A : memref<!tpu.dma_semaphore, #tpu.memory_space<semaphore_mem>>) src(%arg10 : memref<128x128xf32, #tpu.memory_space<vmem>>) dst(%dma_wait3A_91 : memref<10240x128xf32, #tpu.memory_space<vmem_shared>>)
          tpu.yield
        }) : () -> ()
        %add3A_73 = arith.constant 2 : i32
        %add3A_74 = arith.addi %add3A_66, %add3A_73 : i32
        %lt3A_75 = arith.constant 40 : i32
        %lt3A_76 = arith.cmpi slt, %add3A_74, %lt3A_75 : i32
        %convert_element_type3A_77 = arith.extui %lt3A_76 : i1 to i32
        %cond3A_78 = arith.constant 0 : i32
        %cond3A_79 = arith.cmpi ne, %convert_element_type3A_77, %cond3A_78 : i32
        scf.if %cond3A_79 {
          %add3A_80 = arith.constant 2 : i32
          %add3A_81 = arith.addi %add3A_66, %add3A_80 : i32
          %dma_start3A_82 = arith.constant 0 : i32
          %dma_start3A_83 = tpu.memref_slice %arg7[%add3A_81, %dma_start3A_82] : memref<40x128xi32, #tpu.memory_space<vmem>> -> memref<1x128xi32, #tpu.memory_space<vmem>>
          %dma_start3A_84 = tpu.memref_squeeze %dma_start3A_83 : memref<1x128xi32, #tpu.memory_space<vmem>> -> memref<128xi32, #tpu.memory_space<vmem>>
          %dma_start3A_85 = arith.constant 0 : i32
          %dma_start3A_86 = arith.constant 0 : i32
          %dma_start3A_87 = tpu.memref_slice %arg2[%dma_start3A_85, %dma_start3A_86] : memref<10240x128xf32, #tpu.memory_space<hbm>> -> memref<10240x128xf32, #tpu.memory_space<hbm>>
          tpu.enqueue_indirect_dma source(%dma_start3A_87 : memref<10240x128xf32, #tpu.memory_space<hbm>>) target(%arg10 : memref<128x128xf32, #tpu.memory_space<vmem>>) offsets(%dma_start3A_84 : memref<128xi32, #tpu.memory_space<vmem>>) semaphore(%arg12 : memref<!tpu.dma_semaphore, #tpu.memory_space<semaphore_mem>>)
        } else {
        }
      }
      %scan3A_48 = arith.constant 20 : i32
    } else {
    }
    %barrier3A_24 = arith.constant 0 : index
    tpu.barrier barrier_id(%barrier3A_24)
    %mul3A_25 = arith.constant 640 : i32
    %mul3A_26 = arith.muli %arg1, %mul3A_25 : i32
    %mul3A_27 = arith.constant 640 : i32
    %mul3A_28 = arith.muli %arg1, %mul3A_27 : i32
    "tpu.region"() ({
      %run_scoped3A = tpu.sem_alloc : memref<!tpu.dma_semaphore, #tpu.memory_space<semaphore_mem>>
      %dma_start3A = arith.constant 0 : i32
      %dma_start3A_29 = arith.constant 0 : i32
      %dma_start3A_30 = tpu.memref_slice %arg6[%arg0, %dma_start3A, %dma_start3A_29] : memref<2x10240x128xf32, #tpu.memory_space<hbm>> -> memref<1x10240x128xf32, #tpu.memory_space<hbm>>
      %dma_start3A_31 = tpu.memref_squeeze %dma_start3A_30 : memref<1x10240x128xf32, #tpu.memory_space<hbm>> -> memref<10240x128xf32, #tpu.memory_space<hbm>>
      %dma_start3A_32 = arith.constant 0 : i32
      %dma_start3A_33 = tpu.memref_slice %dma_start3A_31[%mul3A_28, %dma_start3A_32] : memref<10240x128xf32, #tpu.memory_space<hbm>> -> memref<640x128xf32, #tpu.memory_space<hbm>>
      %dma_start3A_34 = arith.constant 0 : i32
      %dma_start3A_35 = tpu.memref_slice %arg13[%mul3A_26, %dma_start3A_34] : memref<10240x128xf32, #tpu.memory_space<vmem_shared>> -> memref<640x128xf32, #tpu.memory_space<vmem_shared>>
      tpu.enqueue_dma source(%dma_start3A_35 : memref<640x128xf32, #tpu.memory_space<vmem_shared>>) target(%dma_start3A_33 : memref<640x128xf32, #tpu.memory_space<hbm>>) target_semaphore(%run_scoped3A : memref<!tpu.dma_semaphore, #tpu.memory_space<semaphore_mem>>)
      %dma_wait3A = arith.constant 0 : i32
      %dma_wait3A_36 = arith.constant 0 : i32
      %dma_wait3A_37 = tpu.memref_slice %arg6[%arg0, %dma_wait3A, %dma_wait3A_36] : memref<2x10240x128xf32, #tpu.memory_space<hbm>> -> memref<1x10240x128xf32, #tpu.memory_space<hbm>>
      %dma_wait3A_38 = tpu.memref_squeeze %dma_wait3A_37 : memref<1x10240x128xf32, #tpu.memory_space<hbm>> -> memref<10240x128xf32, #tpu.memory_space<hbm>>
      %dma_wait3A_39 = arith.constant 0 : i32
      %dma_wait3A_40 = tpu.memref_slice %dma_wait3A_38[%mul3A_28, %dma_wait3A_39] : memref<10240x128xf32, #tpu.memory_space<hbm>> -> memref<640x128xf32, #tpu.memory_space<hbm>>
      %dma_wait3A_41 = arith.constant 0 : i32
      %dma_wait3A_42 = tpu.memref_slice %arg13[%mul3A_26, %dma_wait3A_41] : memref<10240x128xf32, #tpu.memory_space<vmem_shared>> -> memref<640x128xf32, #tpu.memory_space<vmem_shared>>
      tpu.wait_dma2 semaphore(%run_scoped3A : memref<!tpu.dma_semaphore, #tpu.memory_space<semaphore_mem>>) src(%dma_wait3A_42 : memref<640x128xf32, #tpu.memory_space<vmem_shared>>) dst(%dma_wait3A_40 : memref<640x128xf32, #tpu.memory_space<hbm>>)
      tpu.yield
    }) : () -> ()
    return
  }
}

#map = affine_map<(d0, d1) -> (0, 0)>
#map1 = affine_map<(d0, d1) -> (0, 0, 0)>
module attributes {stable_mosaic.version = 14 : i64} {
  func.func @_deg_body(%arg0: i32, %arg1: i32, %arg2: memref<2560x128xi32, #tpu.memory_space<hbm>>, %arg3: memref<128x128xf32, #tpu.memory_space<hbm>>, %arg4: memref<640x128xf32, #tpu.memory_space<hbm>>, %arg5: memref<2x10240x128xf32, #tpu.memory_space<hbm>>, %arg6: memref<80x128xi32, #tpu.memory_space<vmem>>, %arg7: memref<128x128xf32, #tpu.memory_space<vmem>>, %arg8: memref<10240x128xf32, #tpu.memory_space<vmem_shared>>) attributes {dimension_semantics = [#tpu.dimension_semantics<core_parallel>, #tpu.dimension_semantics<subcore_parallel>], iteration_bounds = array<i64: 2, 16>, scalar_prefetch = 0 : i64, scratch_operands = 3 : i64, tpu.core_type = #tpu.core_type<sc_vector_subcore>, window_params = [{transform_indices = #map}, {transform_indices = #map}, {transform_indices = #map}, {transform_indices = #map1}]} {
    %mul3A = arith.constant 16 : i32
    %mul3A_0 = arith.muli %arg0, %mul3A : i32
    %add3A = arith.addi %mul3A_0, %arg1 : i32
    %mul3A_1 = arith.constant 80 : i32
    %mul3A_2 = arith.muli %add3A, %mul3A_1 : i32
    "tpu.region"() ({
      %run_scoped3A = tpu.sem_alloc : memref<!tpu.dma_semaphore, #tpu.memory_space<semaphore_mem>>
      %dma_start3A = arith.constant 0 : i32
      %dma_start3A_15 = tpu.memref_slice %arg2[%mul3A_2, %dma_start3A] : memref<2560x128xi32, #tpu.memory_space<hbm>> -> memref<80x128xi32, #tpu.memory_space<hbm>>
      %dma_start3A_16 = arith.constant 0 : i32
      %dma_start3A_17 = tpu.memref_slice %arg2[%mul3A_2, %dma_start3A_16] : memref<2560x128xi32, #tpu.memory_space<hbm>> -> memref<80x128xi32, #tpu.memory_space<hbm>>
      tpu.enqueue_dma source(%dma_start3A_17 : memref<80x128xi32, #tpu.memory_space<hbm>>) target(%arg6 : memref<80x128xi32, #tpu.memory_space<vmem>>) target_semaphore(%run_scoped3A : memref<!tpu.dma_semaphore, #tpu.memory_space<semaphore_mem>>)
      %dma_wait3A = arith.constant 0 : i32
      %dma_wait3A_18 = tpu.memref_slice %arg2[%mul3A_2, %dma_wait3A] : memref<2560x128xi32, #tpu.memory_space<hbm>> -> memref<80x128xi32, #tpu.memory_space<hbm>>
      %dma_wait3A_19 = arith.constant 0 : i32
      %dma_wait3A_20 = tpu.memref_slice %arg2[%mul3A_2, %dma_wait3A_19] : memref<2560x128xi32, #tpu.memory_space<hbm>> -> memref<80x128xi32, #tpu.memory_space<hbm>>
      tpu.wait_dma2 semaphore(%run_scoped3A : memref<!tpu.dma_semaphore, #tpu.memory_space<semaphore_mem>>) src(%dma_wait3A_20 : memref<80x128xi32, #tpu.memory_space<hbm>>) dst(%arg6 : memref<80x128xi32, #tpu.memory_space<vmem>>)
      tpu.yield
    }) : () -> ()
    "tpu.region"() ({
      %run_scoped3A = tpu.sem_alloc : memref<!tpu.dma_semaphore, #tpu.memory_space<semaphore_mem>>
      tpu.enqueue_dma source(%arg3 : memref<128x128xf32, #tpu.memory_space<hbm>>) target(%arg7 : memref<128x128xf32, #tpu.memory_space<vmem>>) target_semaphore(%run_scoped3A : memref<!tpu.dma_semaphore, #tpu.memory_space<semaphore_mem>>)
      tpu.wait_dma2 semaphore(%run_scoped3A : memref<!tpu.dma_semaphore, #tpu.memory_space<semaphore_mem>>) src(%arg3 : memref<128x128xf32, #tpu.memory_space<hbm>>) dst(%arg7 : memref<128x128xf32, #tpu.memory_space<vmem>>)
      tpu.yield
    }) : () -> ()
    %mul3A_3 = arith.constant 640 : i32
    %mul3A_4 = arith.muli %arg1, %mul3A_3 : i32
    "tpu.region"() ({
      %run_scoped3A = tpu.sem_alloc : memref<!tpu.dma_semaphore, #tpu.memory_space<semaphore_mem>>
      %dma_start3A = arith.constant 0 : i32
      %dma_start3A_15 = tpu.memref_slice %arg8[%mul3A_4, %dma_start3A] : memref<10240x128xf32, #tpu.memory_space<vmem_shared>> -> memref<640x128xf32, #tpu.memory_space<vmem_shared>>
      tpu.enqueue_dma source(%arg4 : memref<640x128xf32, #tpu.memory_space<hbm>>) target(%dma_start3A_15 : memref<640x128xf32, #tpu.memory_space<vmem_shared>>) target_semaphore(%run_scoped3A : memref<!tpu.dma_semaphore, #tpu.memory_space<semaphore_mem>>)
      %dma_wait3A = arith.constant 0 : i32
      %dma_wait3A_16 = tpu.memref_slice %arg8[%mul3A_4, %dma_wait3A] : memref<10240x128xf32, #tpu.memory_space<vmem_shared>> -> memref<640x128xf32, #tpu.memory_space<vmem_shared>>
      tpu.wait_dma2 semaphore(%run_scoped3A : memref<!tpu.dma_semaphore, #tpu.memory_space<semaphore_mem>>) src(%arg4 : memref<640x128xf32, #tpu.memory_space<hbm>>) dst(%dma_wait3A_16 : memref<640x128xf32, #tpu.memory_space<vmem_shared>>)
      tpu.yield
    }) : () -> ()
    %barrier3A = arith.constant 0 : index
    tpu.barrier barrier_id(%barrier3A)
    %scan3A = arith.constant 0 : i32
    %scan3A_5 = arith.constant 0 : i32
    %scan3A_6 = arith.constant 80 : i32
    %scan3A_7 = arith.addi %scan3A_5, %scan3A_6 : i32
    %scan3A_8 = arith.constant 1 : i32
    scf.for %scan3A_15 = %scan3A_5 to %scan3A_7 step %scan3A_8  : i32 {
      "tpu.region"() ({
        %run_scoped3A = tpu.sem_alloc : memref<!tpu.dma_semaphore, #tpu.memory_space<semaphore_mem>>
        %dma_start3A = arith.constant 0 : i32
        %dma_start3A_16 = tpu.memref_slice %arg6[%scan3A_15, %dma_start3A] : memref<80x128xi32, #tpu.memory_space<vmem>> -> memref<1x128xi32, #tpu.memory_space<vmem>>
        %dma_start3A_17 = tpu.memref_squeeze %dma_start3A_16 : memref<1x128xi32, #tpu.memory_space<vmem>> -> memref<128xi32, #tpu.memory_space<vmem>>
        %dma_start3A_18 = arith.constant 0 : i32
        %dma_start3A_19 = arith.constant 0 : i32
        %dma_start3A_20 = tpu.memref_slice %arg8[%dma_start3A_18, %dma_start3A_19] : memref<10240x128xf32, #tpu.memory_space<vmem_shared>> -> memref<10240x128xf32, #tpu.memory_space<vmem_shared>>
        tpu.enqueue_indirect_dma source(%arg7 : memref<128x128xf32, #tpu.memory_space<vmem>>) target(%dma_start3A_20 : memref<10240x128xf32, #tpu.memory_space<vmem_shared>>) offsets(%dma_start3A_17 : memref<128xi32, #tpu.memory_space<vmem>>) semaphore(%run_scoped3A : memref<!tpu.dma_semaphore, #tpu.memory_space<semaphore_mem>>) {add = true}
        %dma_wait3A = arith.constant 0 : i32
        %dma_wait3A_21 = tpu.memref_slice %arg6[%scan3A_15, %dma_wait3A] : memref<80x128xi32, #tpu.memory_space<vmem>> -> memref<1x128xi32, #tpu.memory_space<vmem>>
        %dma_wait3A_22 = tpu.memref_squeeze %dma_wait3A_21 : memref<1x128xi32, #tpu.memory_space<vmem>> -> memref<128xi32, #tpu.memory_space<vmem>>
        %dma_wait3A_23 = arith.constant 0 : i32
        %dma_wait3A_24 = arith.constant 0 : i32
        %dma_wait3A_25 = tpu.memref_slice %arg8[%dma_wait3A_23, %dma_wait3A_24] : memref<10240x128xf32, #tpu.memory_space<vmem_shared>> -> memref<10240x128xf32, #tpu.memory_space<vmem_shared>>
        tpu.wait_indirect_dma semaphore(%run_scoped3A : memref<!tpu.dma_semaphore, #tpu.memory_space<semaphore_mem>>) src(%arg7 : memref<128x128xf32, #tpu.memory_space<vmem>>) dst(%dma_wait3A_25 : memref<10240x128xf32, #tpu.memory_space<vmem_shared>>)
        tpu.yield
      }) : () -> ()
    }
    %scan3A_9 = arith.constant 80 : i32
    %barrier3A_10 = arith.constant 0 : index
    tpu.barrier barrier_id(%barrier3A_10)
    %mul3A_11 = arith.constant 640 : i32
    %mul3A_12 = arith.muli %arg1, %mul3A_11 : i32
    %mul3A_13 = arith.constant 640 : i32
    %mul3A_14 = arith.muli %arg1, %mul3A_13 : i32
    "tpu.region"() ({
      %run_scoped3A = tpu.sem_alloc : memref<!tpu.dma_semaphore, #tpu.memory_space<semaphore_mem>>
      %dma_start3A = arith.constant 0 : i32
      %dma_start3A_15 = arith.constant 0 : i32
      %dma_start3A_16 = tpu.memref_slice %arg5[%arg0, %dma_start3A, %dma_start3A_15] : memref<2x10240x128xf32, #tpu.memory_space<hbm>> -> memref<1x10240x128xf32, #tpu.memory_space<hbm>>
      %dma_start3A_17 = tpu.memref_squeeze %dma_start3A_16 : memref<1x10240x128xf32, #tpu.memory_space<hbm>> -> memref<10240x128xf32, #tpu.memory_space<hbm>>
      %dma_start3A_18 = arith.constant 0 : i32
      %dma_start3A_19 = tpu.memref_slice %dma_start3A_17[%mul3A_14, %dma_start3A_18] : memref<10240x128xf32, #tpu.memory_space<hbm>> -> memref<640x128xf32, #tpu.memory_space<hbm>>
      %dma_start3A_20 = arith.constant 0 : i32
      %dma_start3A_21 = tpu.memref_slice %arg8[%mul3A_12, %dma_start3A_20] : memref<10240x128xf32, #tpu.memory_space<vmem_shared>> -> memref<640x128xf32, #tpu.memory_space<vmem_shared>>
      tpu.enqueue_dma source(%dma_start3A_21 : memref<640x128xf32, #tpu.memory_space<vmem_shared>>) target(%dma_start3A_19 : memref<640x128xf32, #tpu.memory_space<hbm>>) target_semaphore(%run_scoped3A : memref<!tpu.dma_semaphore, #tpu.memory_space<semaphore_mem>>)
      %dma_wait3A = arith.constant 0 : i32
      %dma_wait3A_22 = arith.constant 0 : i32
      %dma_wait3A_23 = tpu.memref_slice %arg5[%arg0, %dma_wait3A, %dma_wait3A_22] : memref<2x10240x128xf32, #tpu.memory_space<hbm>> -> memref<1x10240x128xf32, #tpu.memory_space<hbm>>
      %dma_wait3A_24 = tpu.memref_squeeze %dma_wait3A_23 : memref<1x10240x128xf32, #tpu.memory_space<hbm>> -> memref<10240x128xf32, #tpu.memory_space<hbm>>
      %dma_wait3A_25 = arith.constant 0 : i32
      %dma_wait3A_26 = tpu.memref_slice %dma_wait3A_24[%mul3A_14, %dma_wait3A_25] : memref<10240x128xf32, #tpu.memory_space<hbm>> -> memref<640x128xf32, #tpu.memory_space<hbm>>
      %dma_wait3A_27 = arith.constant 0 : i32
      %dma_wait3A_28 = tpu.memref_slice %arg8[%mul3A_12, %dma_wait3A_27] : memref<10240x128xf32, #tpu.memory_space<vmem_shared>> -> memref<640x128xf32, #tpu.memory_space<vmem_shared>>
      tpu.wait_dma2 semaphore(%run_scoped3A : memref<!tpu.dma_semaphore, #tpu.memory_space<semaphore_mem>>) src(%dma_wait3A_28 : memref<640x128xf32, #tpu.memory_space<vmem_shared>>) dst(%dma_wait3A_26 : memref<640x128xf32, #tpu.memory_space<hbm>>)
      tpu.yield
    }) : () -> ()
    return
  }
}

#map = affine_map<(d0, d1) -> (0, 0)>
#map1 = affine_map<(d0, d1) -> (0, 0, 0)>
module attributes {stable_mosaic.version = 14 : i64} {
  func.func @_msg_body(%arg0: i32, %arg1: i32, %arg2: memref<10240x128xf32, #tpu.memory_space<hbm>>, %arg3: memref<2560x128xi32, #tpu.memory_space<hbm>>, %arg4: memref<2560x128xi32, #tpu.memory_space<hbm>>, %arg5: memref<640x128xf32, #tpu.memory_space<hbm>>, %arg6: memref<2x10240x128xf32, #tpu.memory_space<hbm>>, %arg7: memref<40x128xi32, #tpu.memory_space<vmem>>, %arg8: memref<40x128xi32, #tpu.memory_space<vmem>>, %arg9: memref<128x128xf32, #tpu.memory_space<vmem>>, %arg10: memref<128x128xf32, #tpu.memory_space<vmem>>, %arg11: memref<!tpu.dma_semaphore, #tpu.memory_space<semaphore_mem>>, %arg12: memref<!tpu.dma_semaphore, #tpu.memory_space<semaphore_mem>>, %arg13: memref<10240x128xf32, #tpu.memory_space<vmem_shared>>) attributes {dimension_semantics = [#tpu.dimension_semantics<core_parallel>, #tpu.dimension_semantics<subcore_parallel>], iteration_bounds = array<i64: 2, 16>, scalar_prefetch = 0 : i64, scratch_operands = 7 : i64, tpu.core_type = #tpu.core_type<sc_vector_subcore>, window_params = [{transform_indices = #map}, {transform_indices = #map}, {transform_indices = #map}, {transform_indices = #map}, {transform_indices = #map1}]} {
    %eq3A = arith.constant 0 : i32
    %eq3A_0 = arith.cmpi eq, %arg0, %eq3A : i32
    %convert_element_type3A = arith.extui %eq3A_0 : i1 to i32
    %cond3A = arith.constant 0 : i32
    %cond3A_1 = arith.cmpi ne, %convert_element_type3A, %cond3A : i32
    scf.if %cond3A_1 {
      %mul3A_29 = arith.constant 640 : i32
      %mul3A_30 = arith.muli %arg1, %mul3A_29 : i32
      %mul3A_31 = arith.constant 640 : i32
      %mul3A_32 = arith.muli %arg1, %mul3A_31 : i32
      "tpu.region"() ({
        %run_scoped3A = tpu.sem_alloc : memref<!tpu.dma_semaphore, #tpu.memory_space<semaphore_mem>>
        %dma_start3A = arith.constant 0 : i32
        %dma_start3A_33 = tpu.memref_slice %arg13[%mul3A_32, %dma_start3A] : memref<10240x128xf32, #tpu.memory_space<vmem_shared>> -> memref<640x128xf32, #tpu.memory_space<vmem_shared>>
        %dma_start3A_34 = arith.constant 0 : i32
        %dma_start3A_35 = tpu.memref_slice %arg2[%mul3A_30, %dma_start3A_34] : memref<10240x128xf32, #tpu.memory_space<hbm>> -> memref<640x128xf32, #tpu.memory_space<hbm>>
        tpu.enqueue_dma source(%dma_start3A_35 : memref<640x128xf32, #tpu.memory_space<hbm>>) target(%dma_start3A_33 : memref<640x128xf32, #tpu.memory_space<vmem_shared>>) target_semaphore(%run_scoped3A : memref<!tpu.dma_semaphore, #tpu.memory_space<semaphore_mem>>)
        %dma_wait3A = arith.constant 0 : i32
        %dma_wait3A_36 = tpu.memref_slice %arg13[%mul3A_32, %dma_wait3A] : memref<10240x128xf32, #tpu.memory_space<vmem_shared>> -> memref<640x128xf32, #tpu.memory_space<vmem_shared>>
        %dma_wait3A_37 = arith.constant 0 : i32
        %dma_wait3A_38 = tpu.memref_slice %arg2[%mul3A_30, %dma_wait3A_37] : memref<10240x128xf32, #tpu.memory_space<hbm>> -> memref<640x128xf32, #tpu.memory_space<hbm>>
        tpu.wait_dma2 semaphore(%run_scoped3A : memref<!tpu.dma_semaphore, #tpu.memory_space<semaphore_mem>>) src(%dma_wait3A_38 : memref<640x128xf32, #tpu.memory_space<hbm>>) dst(%dma_wait3A_36 : memref<640x128xf32, #tpu.memory_space<vmem_shared>>)
        tpu.yield
      }) : () -> ()
    } else {
    }
    %eq3A_2 = arith.constant 1 : i32
    %eq3A_3 = arith.cmpi eq, %arg0, %eq3A_2 : i32
    %convert_element_type3A_4 = arith.extui %eq3A_3 : i1 to i32
    %cond3A_5 = arith.constant 0 : i32
    %cond3A_6 = arith.cmpi ne, %convert_element_type3A_4, %cond3A_5 : i32
    scf.if %cond3A_6 {
      %mul3A_29 = arith.constant 640 : i32
      %mul3A_30 = arith.muli %arg1, %mul3A_29 : i32
      "tpu.region"() ({
        %run_scoped3A = tpu.sem_alloc : memref<!tpu.dma_semaphore, #tpu.memory_space<semaphore_mem>>
        %dma_start3A = arith.constant 0 : i32
        %dma_start3A_31 = tpu.memref_slice %arg13[%mul3A_30, %dma_start3A] : memref<10240x128xf32, #tpu.memory_space<vmem_shared>> -> memref<640x128xf32, #tpu.memory_space<vmem_shared>>
        tpu.enqueue_dma source(%arg5 : memref<640x128xf32, #tpu.memory_space<hbm>>) target(%dma_start3A_31 : memref<640x128xf32, #tpu.memory_space<vmem_shared>>) target_semaphore(%run_scoped3A : memref<!tpu.dma_semaphore, #tpu.memory_space<semaphore_mem>>)
        %dma_wait3A = arith.constant 0 : i32
        %dma_wait3A_32 = tpu.memref_slice %arg13[%mul3A_30, %dma_wait3A] : memref<10240x128xf32, #tpu.memory_space<vmem_shared>> -> memref<640x128xf32, #tpu.memory_space<vmem_shared>>
        tpu.wait_dma2 semaphore(%run_scoped3A : memref<!tpu.dma_semaphore, #tpu.memory_space<semaphore_mem>>) src(%arg5 : memref<640x128xf32, #tpu.memory_space<hbm>>) dst(%dma_wait3A_32 : memref<640x128xf32, #tpu.memory_space<vmem_shared>>)
        tpu.yield
      }) : () -> ()
    } else {
    }
    %barrier3A = arith.constant 0 : index
    tpu.barrier barrier_id(%barrier3A)
    %eq3A_7 = arith.constant 0 : i32
    %eq3A_8 = arith.cmpi eq, %arg0, %eq3A_7 : i32
    %mul3A = arith.constant 80 : i32
    %mul3A_9 = arith.muli %arg1, %mul3A : i32
    %mul3A_10 = arith.constant 80 : i32
    %mul3A_11 = arith.muli %arg1, %mul3A_10 : i32
    %add3A = arith.constant 1280 : i32
    %add3A_12 = arith.addi %add3A, %mul3A_11 : i32
    %select_n3A = arith.select %eq3A_8, %mul3A_9, %add3A_12 : i32
    %jit3A = arith.constant 2 : i32
    %jit3A_13 = arith.constant 2 : i32
    %select_n3A_14 = arith.select %eq3A_8, %jit3A, %jit3A_13 : i32
    %gt3A = arith.constant 0 : i32
    %gt3A_15 = arith.cmpi sgt, %select_n3A_14, %gt3A : i32
    %convert_element_type3A_16 = arith.extui %gt3A_15 : i1 to i32
    %cond3A_17 = arith.constant 0 : i32
    %cond3A_18 = arith.cmpi ne, %convert_element_type3A_16, %cond3A_17 : i32
    scf.if %cond3A_18 {
      %add3A_29 = arith.constant 0 : i32
      %add3A_30 = arith.addi %select_n3A, %add3A_29 : i32
      "tpu.region"() ({
        %run_scoped3A = tpu.sem_alloc : memref<!tpu.dma_semaphore, #tpu.memory_space<semaphore_mem>>
        %dma_start3A_49 = arith.constant 0 : i32
        %dma_start3A_50 = tpu.memref_slice %arg3[%add3A_30, %dma_start3A_49] : memref<2560x128xi32, #tpu.memory_space<hbm>> -> memref<40x128xi32, #tpu.memory_space<hbm>>
        %dma_start3A_51 = arith.constant 0 : i32
        %dma_start3A_52 = tpu.memref_slice %arg3[%add3A_30, %dma_start3A_51] : memref<2560x128xi32, #tpu.memory_space<hbm>> -> memref<40x128xi32, #tpu.memory_space<hbm>>
        tpu.enqueue_dma source(%dma_start3A_52 : memref<40x128xi32, #tpu.memory_space<hbm>>) target(%arg7 : memref<40x128xi32, #tpu.memory_space<vmem>>) target_semaphore(%run_scoped3A : memref<!tpu.dma_semaphore, #tpu.memory_space<semaphore_mem>>)
        %dma_wait3A = arith.constant 0 : i32
        %dma_wait3A_53 = tpu.memref_slice %arg3[%add3A_30, %dma_wait3A] : memref<2560x128xi32, #tpu.memory_space<hbm>> -> memref<40x128xi32, #tpu.memory_space<hbm>>
        %dma_wait3A_54 = arith.constant 0 : i32
        %dma_wait3A_55 = tpu.memref_slice %arg3[%add3A_30, %dma_wait3A_54] : memref<2560x128xi32, #tpu.memory_space<hbm>> -> memref<40x128xi32, #tpu.memory_space<hbm>>
        tpu.wait_dma2 semaphore(%run_scoped3A : memref<!tpu.dma_semaphore, #tpu.memory_space<semaphore_mem>>) src(%dma_wait3A_55 : memref<40x128xi32, #tpu.memory_space<hbm>>) dst(%arg7 : memref<40x128xi32, #tpu.memory_space<vmem>>)
        tpu.yield
      }) : () -> ()
      "tpu.region"() ({
        %run_scoped3A = tpu.sem_alloc : memref<!tpu.dma_semaphore, #tpu.memory_space<semaphore_mem>>
        %dma_start3A_49 = arith.constant 0 : i32
        %dma_start3A_50 = tpu.memref_slice %arg4[%add3A_30, %dma_start3A_49] : memref<2560x128xi32, #tpu.memory_space<hbm>> -> memref<40x128xi32, #tpu.memory_space<hbm>>
        %dma_start3A_51 = arith.constant 0 : i32
        %dma_start3A_52 = tpu.memref_slice %arg4[%add3A_30, %dma_start3A_51] : memref<2560x128xi32, #tpu.memory_space<hbm>> -> memref<40x128xi32, #tpu.memory_space<hbm>>
        tpu.enqueue_dma source(%dma_start3A_52 : memref<40x128xi32, #tpu.memory_space<hbm>>) target(%arg8 : memref<40x128xi32, #tpu.memory_space<vmem>>) target_semaphore(%run_scoped3A : memref<!tpu.dma_semaphore, #tpu.memory_space<semaphore_mem>>)
        %dma_wait3A = arith.constant 0 : i32
        %dma_wait3A_53 = tpu.memref_slice %arg4[%add3A_30, %dma_wait3A] : memref<2560x128xi32, #tpu.memory_space<hbm>> -> memref<40x128xi32, #tpu.memory_space<hbm>>
        %dma_wait3A_54 = arith.constant 0 : i32
        %dma_wait3A_55 = tpu.memref_slice %arg4[%add3A_30, %dma_wait3A_54] : memref<2560x128xi32, #tpu.memory_space<hbm>> -> memref<40x128xi32, #tpu.memory_space<hbm>>
        tpu.wait_dma2 semaphore(%run_scoped3A : memref<!tpu.dma_semaphore, #tpu.memory_space<semaphore_mem>>) src(%dma_wait3A_55 : memref<40x128xi32, #tpu.memory_space<hbm>>) dst(%arg8 : memref<40x128xi32, #tpu.memory_space<vmem>>)
        tpu.yield
      }) : () -> ()
      %dma_start3A = arith.constant 0 : i32
      %dma_start3A_31 = arith.constant 0 : i32
      %dma_start3A_32 = tpu.memref_slice %arg7[%dma_start3A, %dma_start3A_31] : memref<40x128xi32, #tpu.memory_space<vmem>> -> memref<1x128xi32, #tpu.memory_space<vmem>>
      %dma_start3A_33 = tpu.memref_squeeze %dma_start3A_32 : memref<1x128xi32, #tpu.memory_space<vmem>> -> memref<128xi32, #tpu.memory_space<vmem>>
      %dma_start3A_34 = arith.constant 0 : i32
      %dma_start3A_35 = arith.constant 0 : i32
      %dma_start3A_36 = tpu.memref_slice %arg2[%dma_start3A_34, %dma_start3A_35] : memref<10240x128xf32, #tpu.memory_space<hbm>> -> memref<10240x128xf32, #tpu.memory_space<hbm>>
      tpu.enqueue_indirect_dma source(%dma_start3A_36 : memref<10240x128xf32, #tpu.memory_space<hbm>>) target(%arg9 : memref<128x128xf32, #tpu.memory_space<vmem>>) offsets(%dma_start3A_33 : memref<128xi32, #tpu.memory_space<vmem>>) semaphore(%arg11 : memref<!tpu.dma_semaphore, #tpu.memory_space<semaphore_mem>>)
      %dma_start3A_37 = arith.constant 1 : i32
      %dma_start3A_38 = arith.constant 0 : i32
      %dma_start3A_39 = tpu.memref_slice %arg7[%dma_start3A_37, %dma_start3A_38] : memref<40x128xi32, #tpu.memory_space<vmem>> -> memref<1x128xi32, #tpu.memory_space<vmem>>
      %dma_start3A_40 = tpu.memref_squeeze %dma_start3A_39 : memref<1x128xi32, #tpu.memory_space<vmem>> -> memref<128xi32, #tpu.memory_space<vmem>>
      %dma_start3A_41 = arith.constant 0 : i32
      %dma_start3A_42 = arith.constant 0 : i32
      %dma_start3A_43 = tpu.memref_slice %arg2[%dma_start3A_41, %dma_start3A_42] : memref<10240x128xf32, #tpu.memory_space<hbm>> -> memref<10240x128xf32, #tpu.memory_space<hbm>>
      tpu.enqueue_indirect_dma source(%dma_start3A_43 : memref<10240x128xf32, #tpu.memory_space<hbm>>) target(%arg10 : memref<128x128xf32, #tpu.memory_space<vmem>>) offsets(%dma_start3A_40 : memref<128xi32, #tpu.memory_space<vmem>>) semaphore(%arg12 : memref<!tpu.dma_semaphore, #tpu.memory_space<semaphore_mem>>)
      %scan3A = arith.constant 0 : i32
      %scan3A_44 = arith.constant 0 : i32
      %scan3A_45 = arith.constant 20 : i32
      %scan3A_46 = arith.addi %scan3A_44, %scan3A_45 : i32
      %scan3A_47 = arith.constant 1 : i32
      scf.for %scan3A_49 = %scan3A_44 to %scan3A_46 step %scan3A_47  : i32 {
        %mul3A_50 = arith.constant 2 : i32
        %mul3A_51 = arith.muli %scan3A_49, %mul3A_50 : i32
        %add3A_52 = arith.constant 0 : i32
        %add3A_53 = arith.addi %mul3A_51, %add3A_52 : i32
        %dma_wait3A = arith.constant 0 : i32
        %dma_wait3A_54 = tpu.memref_slice %arg7[%add3A_53, %dma_wait3A] : memref<40x128xi32, #tpu.memory_space<vmem>> -> memref<1x128xi32, #tpu.memory_space<vmem>>
        %dma_wait3A_55 = tpu.memref_squeeze %dma_wait3A_54 : memref<1x128xi32, #tpu.memory_space<vmem>> -> memref<128xi32, #tpu.memory_space<vmem>>
        %dma_wait3A_56 = arith.constant 0 : i32
        %dma_wait3A_57 = arith.constant 0 : i32
        %dma_wait3A_58 = tpu.memref_slice %arg2[%dma_wait3A_56, %dma_wait3A_57] : memref<10240x128xf32, #tpu.memory_space<hbm>> -> memref<10240x128xf32, #tpu.memory_space<hbm>>
        tpu.wait_indirect_dma semaphore(%arg11 : memref<!tpu.dma_semaphore, #tpu.memory_space<semaphore_mem>>) src(%dma_wait3A_58 : memref<10240x128xf32, #tpu.memory_space<hbm>>) dst(%arg9 : memref<128x128xf32, #tpu.memory_space<vmem>>)
        "tpu.region"() ({
          %run_scoped3A = tpu.sem_alloc : memref<!tpu.dma_semaphore, #tpu.memory_space<semaphore_mem>>
          %dma_start3A_80 = arith.constant 0 : i32
          %dma_start3A_81 = tpu.memref_slice %arg8[%add3A_53, %dma_start3A_80] : memref<40x128xi32, #tpu.memory_space<vmem>> -> memref<1x128xi32, #tpu.memory_space<vmem>>
          %dma_start3A_82 = tpu.memref_squeeze %dma_start3A_81 : memref<1x128xi32, #tpu.memory_space<vmem>> -> memref<128xi32, #tpu.memory_space<vmem>>
          %dma_start3A_83 = arith.constant 0 : i32
          %dma_start3A_84 = arith.constant 0 : i32
          %dma_start3A_85 = tpu.memref_slice %arg13[%dma_start3A_83, %dma_start3A_84] : memref<10240x128xf32, #tpu.memory_space<vmem_shared>> -> memref<10240x128xf32, #tpu.memory_space<vmem_shared>>
          tpu.enqueue_indirect_dma source(%arg9 : memref<128x128xf32, #tpu.memory_space<vmem>>) target(%dma_start3A_85 : memref<10240x128xf32, #tpu.memory_space<vmem_shared>>) offsets(%dma_start3A_82 : memref<128xi32, #tpu.memory_space<vmem>>) semaphore(%run_scoped3A : memref<!tpu.dma_semaphore, #tpu.memory_space<semaphore_mem>>) {add = true}
          %dma_wait3A_86 = arith.constant 0 : i32
          %dma_wait3A_87 = tpu.memref_slice %arg8[%add3A_53, %dma_wait3A_86] : memref<40x128xi32, #tpu.memory_space<vmem>> -> memref<1x128xi32, #tpu.memory_space<vmem>>
          %dma_wait3A_88 = tpu.memref_squeeze %dma_wait3A_87 : memref<1x128xi32, #tpu.memory_space<vmem>> -> memref<128xi32, #tpu.memory_space<vmem>>
          %dma_wait3A_89 = arith.constant 0 : i32
          %dma_wait3A_90 = arith.constant 0 : i32
          %dma_wait3A_91 = tpu.memref_slice %arg13[%dma_wait3A_89, %dma_wait3A_90] : memref<10240x128xf32, #tpu.memory_space<vmem_shared>> -> memref<10240x128xf32, #tpu.memory_space<vmem_shared>>
          tpu.wait_indirect_dma semaphore(%run_scoped3A : memref<!tpu.dma_semaphore, #tpu.memory_space<semaphore_mem>>) src(%arg9 : memref<128x128xf32, #tpu.memory_space<vmem>>) dst(%dma_wait3A_91 : memref<10240x128xf32, #tpu.memory_space<vmem_shared>>)
          tpu.yield
        }) : () -> ()
        %add3A_59 = arith.constant 2 : i32
        %add3A_60 = arith.addi %add3A_53, %add3A_59 : i32
        %lt3A = arith.constant 40 : i32
        %lt3A_61 = arith.cmpi slt, %add3A_60, %lt3A : i32
        %convert_element_type3A_62 = arith.extui %lt3A_61 : i1 to i32
        %cond3A_63 = arith.constant 0 : i32
        %cond3A_64 = arith.cmpi ne, %convert_element_type3A_62, %cond3A_63 : i32
        scf.if %cond3A_64 {
          %add3A_80 = arith.constant 2 : i32
          %add3A_81 = arith.addi %add3A_53, %add3A_80 : i32
          %dma_start3A_82 = arith.constant 0 : i32
          %dma_start3A_83 = tpu.memref_slice %arg7[%add3A_81, %dma_start3A_82] : memref<40x128xi32, #tpu.memory_space<vmem>> -> memref<1x128xi32, #tpu.memory_space<vmem>>
          %dma_start3A_84 = tpu.memref_squeeze %dma_start3A_83 : memref<1x128xi32, #tpu.memory_space<vmem>> -> memref<128xi32, #tpu.memory_space<vmem>>
          %dma_start3A_85 = arith.constant 0 : i32
          %dma_start3A_86 = arith.constant 0 : i32
          %dma_start3A_87 = tpu.memref_slice %arg2[%dma_start3A_85, %dma_start3A_86] : memref<10240x128xf32, #tpu.memory_space<hbm>> -> memref<10240x128xf32, #tpu.memory_space<hbm>>
          tpu.enqueue_indirect_dma source(%dma_start3A_87 : memref<10240x128xf32, #tpu.memory_space<hbm>>) target(%arg9 : memref<128x128xf32, #tpu.memory_space<vmem>>) offsets(%dma_start3A_84 : memref<128xi32, #tpu.memory_space<vmem>>) semaphore(%arg11 : memref<!tpu.dma_semaphore, #tpu.memory_space<semaphore_mem>>)
        } else {
        }
        %add3A_65 = arith.constant 1 : i32
        %add3A_66 = arith.addi %mul3A_51, %add3A_65 : i32
        %dma_wait3A_67 = arith.constant 0 : i32
        %dma_wait3A_68 = tpu.memref_slice %arg7[%add3A_66, %dma_wait3A_67] : memref<40x128xi32, #tpu.memory_space<vmem>> -> memref<1x128xi32, #tpu.memory_space<vmem>>
        %dma_wait3A_69 = tpu.memref_squeeze %dma_wait3A_68 : memref<1x128xi32, #tpu.memory_space<vmem>> -> memref<128xi32, #tpu.memory_space<vmem>>
        %dma_wait3A_70 = arith.constant 0 : i32
        %dma_wait3A_71 = arith.constant 0 : i32
        %dma_wait3A_72 = tpu.memref_slice %arg2[%dma_wait3A_70, %dma_wait3A_71] : memref<10240x128xf32, #tpu.memory_space<hbm>> -> memref<10240x128xf32, #tpu.memory_space<hbm>>
        tpu.wait_indirect_dma semaphore(%arg12 : memref<!tpu.dma_semaphore, #tpu.memory_space<semaphore_mem>>) src(%dma_wait3A_72 : memref<10240x128xf32, #tpu.memory_space<hbm>>) dst(%arg10 : memref<128x128xf32, #tpu.memory_space<vmem>>)
        "tpu.region"() ({
          %run_scoped3A = tpu.sem_alloc : memref<!tpu.dma_semaphore, #tpu.memory_space<semaphore_mem>>
          %dma_start3A_80 = arith.constant 0 : i32
          %dma_start3A_81 = tpu.memref_slice %arg8[%add3A_66, %dma_start3A_80] : memref<40x128xi32, #tpu.memory_space<vmem>> -> memref<1x128xi32, #tpu.memory_space<vmem>>
          %dma_start3A_82 = tpu.memref_squeeze %dma_start3A_81 : memref<1x128xi32, #tpu.memory_space<vmem>> -> memref<128xi32, #tpu.memory_space<vmem>>
          %dma_start3A_83 = arith.constant 0 : i32
          %dma_start3A_84 = arith.constant 0 : i32
          %dma_start3A_85 = tpu.memref_slice %arg13[%dma_start3A_83, %dma_start3A_84] : memref<10240x128xf32, #tpu.memory_space<vmem_shared>> -> memref<10240x128xf32, #tpu.memory_space<vmem_shared>>
          tpu.enqueue_indirect_dma source(%arg10 : memref<128x128xf32, #tpu.memory_space<vmem>>) target(%dma_start3A_85 : memref<10240x128xf32, #tpu.memory_space<vmem_shared>>) offsets(%dma_start3A_82 : memref<128xi32, #tpu.memory_space<vmem>>) semaphore(%run_scoped3A : memref<!tpu.dma_semaphore, #tpu.memory_space<semaphore_mem>>) {add = true}
          %dma_wait3A_86 = arith.constant 0 : i32
          %dma_wait3A_87 = tpu.memref_slice %arg8[%add3A_66, %dma_wait3A_86] : memref<40x128xi32, #tpu.memory_space<vmem>> -> memref<1x128xi32, #tpu.memory_space<vmem>>
          %dma_wait3A_88 = tpu.memref_squeeze %dma_wait3A_87 : memref<1x128xi32, #tpu.memory_space<vmem>> -> memref<128xi32, #tpu.memory_space<vmem>>
          %dma_wait3A_89 = arith.constant 0 : i32
          %dma_wait3A_90 = arith.constant 0 : i32
          %dma_wait3A_91 = tpu.memref_slice %arg13[%dma_wait3A_89, %dma_wait3A_90] : memref<10240x128xf32, #tpu.memory_space<vmem_shared>> -> memref<10240x128xf32, #tpu.memory_space<vmem_shared>>
          tpu.wait_indirect_dma semaphore(%run_scoped3A : memref<!tpu.dma_semaphore, #tpu.memory_space<semaphore_mem>>) src(%arg10 : memref<128x128xf32, #tpu.memory_space<vmem>>) dst(%dma_wait3A_91 : memref<10240x128xf32, #tpu.memory_space<vmem_shared>>)
          tpu.yield
        }) : () -> ()
        %add3A_73 = arith.constant 2 : i32
        %add3A_74 = arith.addi %add3A_66, %add3A_73 : i32
        %lt3A_75 = arith.constant 40 : i32
        %lt3A_76 = arith.cmpi slt, %add3A_74, %lt3A_75 : i32
        %convert_element_type3A_77 = arith.extui %lt3A_76 : i1 to i32
        %cond3A_78 = arith.constant 0 : i32
        %cond3A_79 = arith.cmpi ne, %convert_element_type3A_77, %cond3A_78 : i32
        scf.if %cond3A_79 {
          %add3A_80 = arith.constant 2 : i32
          %add3A_81 = arith.addi %add3A_66, %add3A_80 : i32
          %dma_start3A_82 = arith.constant 0 : i32
          %dma_start3A_83 = tpu.memref_slice %arg7[%add3A_81, %dma_start3A_82] : memref<40x128xi32, #tpu.memory_space<vmem>> -> memref<1x128xi32, #tpu.memory_space<vmem>>
          %dma_start3A_84 = tpu.memref_squeeze %dma_start3A_83 : memref<1x128xi32, #tpu.memory_space<vmem>> -> memref<128xi32, #tpu.memory_space<vmem>>
          %dma_start3A_85 = arith.constant 0 : i32
          %dma_start3A_86 = arith.constant 0 : i32
          %dma_start3A_87 = tpu.memref_slice %arg2[%dma_start3A_85, %dma_start3A_86] : memref<10240x128xf32, #tpu.memory_space<hbm>> -> memref<10240x128xf32, #tpu.memory_space<hbm>>
          tpu.enqueue_indirect_dma source(%dma_start3A_87 : memref<10240x128xf32, #tpu.memory_space<hbm>>) target(%arg10 : memref<128x128xf32, #tpu.memory_space<vmem>>) offsets(%dma_start3A_84 : memref<128xi32, #tpu.memory_space<vmem>>) semaphore(%arg12 : memref<!tpu.dma_semaphore, #tpu.memory_space<semaphore_mem>>)
        } else {
        }
      }
      %scan3A_48 = arith.constant 20 : i32
    } else {
    }
    %gt3A_19 = arith.constant 1 : i32
    %gt3A_20 = arith.cmpi sgt, %select_n3A_14, %gt3A_19 : i32
    %convert_element_type3A_21 = arith.extui %gt3A_20 : i1 to i32
    %cond3A_22 = arith.constant 0 : i32
    %cond3A_23 = arith.cmpi ne, %convert_element_type3A_21, %cond3A_22 : i32
    scf.if %cond3A_23 {
      %add3A_29 = arith.constant 40 : i32
      %add3A_30 = arith.addi %select_n3A, %add3A_29 : i32
      "tpu.region"() ({
        %run_scoped3A = tpu.sem_alloc : memref<!tpu.dma_semaphore, #tpu.memory_space<semaphore_mem>>
        %dma_start3A_49 = arith.constant 0 : i32
        %dma_start3A_50 = tpu.memref_slice %arg3[%add3A_30, %dma_start3A_49] : memref<2560x128xi32, #tpu.memory_space<hbm>> -> memref<40x128xi32, #tpu.memory_space<hbm>>
        %dma_start3A_51 = arith.constant 0 : i32
        %dma_start3A_52 = tpu.memref_slice %arg3[%add3A_30, %dma_start3A_51] : memref<2560x128xi32, #tpu.memory_space<hbm>> -> memref<40x128xi32, #tpu.memory_space<hbm>>
        tpu.enqueue_dma source(%dma_start3A_52 : memref<40x128xi32, #tpu.memory_space<hbm>>) target(%arg7 : memref<40x128xi32, #tpu.memory_space<vmem>>) target_semaphore(%run_scoped3A : memref<!tpu.dma_semaphore, #tpu.memory_space<semaphore_mem>>)
        %dma_wait3A = arith.constant 0 : i32
        %dma_wait3A_53 = tpu.memref_slice %arg3[%add3A_30, %dma_wait3A] : memref<2560x128xi32, #tpu.memory_space<hbm>> -> memref<40x128xi32, #tpu.memory_space<hbm>>
        %dma_wait3A_54 = arith.constant 0 : i32
        %dma_wait3A_55 = tpu.memref_slice %arg3[%add3A_30, %dma_wait3A_54] : memref<2560x128xi32, #tpu.memory_space<hbm>> -> memref<40x128xi32, #tpu.memory_space<hbm>>
        tpu.wait_dma2 semaphore(%run_scoped3A : memref<!tpu.dma_semaphore, #tpu.memory_space<semaphore_mem>>) src(%dma_wait3A_55 : memref<40x128xi32, #tpu.memory_space<hbm>>) dst(%arg7 : memref<40x128xi32, #tpu.memory_space<vmem>>)
        tpu.yield
      }) : () -> ()
      "tpu.region"() ({
        %run_scoped3A = tpu.sem_alloc : memref<!tpu.dma_semaphore, #tpu.memory_space<semaphore_mem>>
        %dma_start3A_49 = arith.constant 0 : i32
        %dma_start3A_50 = tpu.memref_slice %arg4[%add3A_30, %dma_start3A_49] : memref<2560x128xi32, #tpu.memory_space<hbm>> -> memref<40x128xi32, #tpu.memory_space<hbm>>
        %dma_start3A_51 = arith.constant 0 : i32
        %dma_start3A_52 = tpu.memref_slice %arg4[%add3A_30, %dma_start3A_51] : memref<2560x128xi32, #tpu.memory_space<hbm>> -> memref<40x128xi32, #tpu.memory_space<hbm>>
        tpu.enqueue_dma source(%dma_start3A_52 : memref<40x128xi32, #tpu.memory_space<hbm>>) target(%arg8 : memref<40x128xi32, #tpu.memory_space<vmem>>) target_semaphore(%run_scoped3A : memref<!tpu.dma_semaphore, #tpu.memory_space<semaphore_mem>>)
        %dma_wait3A = arith.constant 0 : i32
        %dma_wait3A_53 = tpu.memref_slice %arg4[%add3A_30, %dma_wait3A] : memref<2560x128xi32, #tpu.memory_space<hbm>> -> memref<40x128xi32, #tpu.memory_space<hbm>>
        %dma_wait3A_54 = arith.constant 0 : i32
        %dma_wait3A_55 = tpu.memref_slice %arg4[%add3A_30, %dma_wait3A_54] : memref<2560x128xi32, #tpu.memory_space<hbm>> -> memref<40x128xi32, #tpu.memory_space<hbm>>
        tpu.wait_dma2 semaphore(%run_scoped3A : memref<!tpu.dma_semaphore, #tpu.memory_space<semaphore_mem>>) src(%dma_wait3A_55 : memref<40x128xi32, #tpu.memory_space<hbm>>) dst(%arg8 : memref<40x128xi32, #tpu.memory_space<vmem>>)
        tpu.yield
      }) : () -> ()
      %dma_start3A = arith.constant 0 : i32
      %dma_start3A_31 = arith.constant 0 : i32
      %dma_start3A_32 = tpu.memref_slice %arg7[%dma_start3A, %dma_start3A_31] : memref<40x128xi32, #tpu.memory_space<vmem>> -> memref<1x128xi32, #tpu.memory_space<vmem>>
      %dma_start3A_33 = tpu.memref_squeeze %dma_start3A_32 : memref<1x128xi32, #tpu.memory_space<vmem>> -> memref<128xi32, #tpu.memory_space<vmem>>
      %dma_start3A_34 = arith.constant 0 : i32
      %dma_start3A_35 = arith.constant 0 : i32
      %dma_start3A_36 = tpu.memref_slice %arg2[%dma_start3A_34, %dma_start3A_35] : memref<10240x128xf32, #tpu.memory_space<hbm>> -> memref<10240x128xf32, #tpu.memory_space<hbm>>
      tpu.enqueue_indirect_dma source(%dma_start3A_36 : memref<10240x128xf32, #tpu.memory_space<hbm>>) target(%arg9 : memref<128x128xf32, #tpu.memory_space<vmem>>) offsets(%dma_start3A_33 : memref<128xi32, #tpu.memory_space<vmem>>) semaphore(%arg11 : memref<!tpu.dma_semaphore, #tpu.memory_space<semaphore_mem>>)
      %dma_start3A_37 = arith.constant 1 : i32
      %dma_start3A_38 = arith.constant 0 : i32
      %dma_start3A_39 = tpu.memref_slice %arg7[%dma_start3A_37, %dma_start3A_38] : memref<40x128xi32, #tpu.memory_space<vmem>> -> memref<1x128xi32, #tpu.memory_space<vmem>>
      %dma_start3A_40 = tpu.memref_squeeze %dma_start3A_39 : memref<1x128xi32, #tpu.memory_space<vmem>> -> memref<128xi32, #tpu.memory_space<vmem>>
      %dma_start3A_41 = arith.constant 0 : i32
      %dma_start3A_42 = arith.constant 0 : i32
      %dma_start3A_43 = tpu.memref_slice %arg2[%dma_start3A_41, %dma_start3A_42] : memref<10240x128xf32, #tpu.memory_space<hbm>> -> memref<10240x128xf32, #tpu.memory_space<hbm>>
      tpu.enqueue_indirect_dma source(%dma_start3A_43 : memref<10240x128xf32, #tpu.memory_space<hbm>>) target(%arg10 : memref<128x128xf32, #tpu.memory_space<vmem>>) offsets(%dma_start3A_40 : memref<128xi32, #tpu.memory_space<vmem>>) semaphore(%arg12 : memref<!tpu.dma_semaphore, #tpu.memory_space<semaphore_mem>>)
      %scan3A = arith.constant 0 : i32
      %scan3A_44 = arith.constant 0 : i32
      %scan3A_45 = arith.constant 20 : i32
      %scan3A_46 = arith.addi %scan3A_44, %scan3A_45 : i32
      %scan3A_47 = arith.constant 1 : i32
      scf.for %scan3A_49 = %scan3A_44 to %scan3A_46 step %scan3A_47  : i32 {
        %mul3A_50 = arith.constant 2 : i32
        %mul3A_51 = arith.muli %scan3A_49, %mul3A_50 : i32
        %add3A_52 = arith.constant 0 : i32
        %add3A_53 = arith.addi %mul3A_51, %add3A_52 : i32
        %dma_wait3A = arith.constant 0 : i32
        %dma_wait3A_54 = tpu.memref_slice %arg7[%add3A_53, %dma_wait3A] : memref<40x128xi32, #tpu.memory_space<vmem>> -> memref<1x128xi32, #tpu.memory_space<vmem>>
        %dma_wait3A_55 = tpu.memref_squeeze %dma_wait3A_54 : memref<1x128xi32, #tpu.memory_space<vmem>> -> memref<128xi32, #tpu.memory_space<vmem>>
        %dma_wait3A_56 = arith.constant 0 : i32
        %dma_wait3A_57 = arith.constant 0 : i32
        %dma_wait3A_58 = tpu.memref_slice %arg2[%dma_wait3A_56, %dma_wait3A_57] : memref<10240x128xf32, #tpu.memory_space<hbm>> -> memref<10240x128xf32, #tpu.memory_space<hbm>>
        tpu.wait_indirect_dma semaphore(%arg11 : memref<!tpu.dma_semaphore, #tpu.memory_space<semaphore_mem>>) src(%dma_wait3A_58 : memref<10240x128xf32, #tpu.memory_space<hbm>>) dst(%arg9 : memref<128x128xf32, #tpu.memory_space<vmem>>)
        "tpu.region"() ({
          %run_scoped3A = tpu.sem_alloc : memref<!tpu.dma_semaphore, #tpu.memory_space<semaphore_mem>>
          %dma_start3A_80 = arith.constant 0 : i32
          %dma_start3A_81 = tpu.memref_slice %arg8[%add3A_53, %dma_start3A_80] : memref<40x128xi32, #tpu.memory_space<vmem>> -> memref<1x128xi32, #tpu.memory_space<vmem>>
          %dma_start3A_82 = tpu.memref_squeeze %dma_start3A_81 : memref<1x128xi32, #tpu.memory_space<vmem>> -> memref<128xi32, #tpu.memory_space<vmem>>
          %dma_start3A_83 = arith.constant 0 : i32
          %dma_start3A_84 = arith.constant 0 : i32
          %dma_start3A_85 = tpu.memref_slice %arg13[%dma_start3A_83, %dma_start3A_84] : memref<10240x128xf32, #tpu.memory_space<vmem_shared>> -> memref<10240x128xf32, #tpu.memory_space<vmem_shared>>
          tpu.enqueue_indirect_dma source(%arg9 : memref<128x128xf32, #tpu.memory_space<vmem>>) target(%dma_start3A_85 : memref<10240x128xf32, #tpu.memory_space<vmem_shared>>) offsets(%dma_start3A_82 : memref<128xi32, #tpu.memory_space<vmem>>) semaphore(%run_scoped3A : memref<!tpu.dma_semaphore, #tpu.memory_space<semaphore_mem>>) {add = true}
          %dma_wait3A_86 = arith.constant 0 : i32
          %dma_wait3A_87 = tpu.memref_slice %arg8[%add3A_53, %dma_wait3A_86] : memref<40x128xi32, #tpu.memory_space<vmem>> -> memref<1x128xi32, #tpu.memory_space<vmem>>
          %dma_wait3A_88 = tpu.memref_squeeze %dma_wait3A_87 : memref<1x128xi32, #tpu.memory_space<vmem>> -> memref<128xi32, #tpu.memory_space<vmem>>
          %dma_wait3A_89 = arith.constant 0 : i32
          %dma_wait3A_90 = arith.constant 0 : i32
          %dma_wait3A_91 = tpu.memref_slice %arg13[%dma_wait3A_89, %dma_wait3A_90] : memref<10240x128xf32, #tpu.memory_space<vmem_shared>> -> memref<10240x128xf32, #tpu.memory_space<vmem_shared>>
          tpu.wait_indirect_dma semaphore(%run_scoped3A : memref<!tpu.dma_semaphore, #tpu.memory_space<semaphore_mem>>) src(%arg9 : memref<128x128xf32, #tpu.memory_space<vmem>>) dst(%dma_wait3A_91 : memref<10240x128xf32, #tpu.memory_space<vmem_shared>>)
          tpu.yield
        }) : () -> ()
        %add3A_59 = arith.constant 2 : i32
        %add3A_60 = arith.addi %add3A_53, %add3A_59 : i32
        %lt3A = arith.constant 40 : i32
        %lt3A_61 = arith.cmpi slt, %add3A_60, %lt3A : i32
        %convert_element_type3A_62 = arith.extui %lt3A_61 : i1 to i32
        %cond3A_63 = arith.constant 0 : i32
        %cond3A_64 = arith.cmpi ne, %convert_element_type3A_62, %cond3A_63 : i32
        scf.if %cond3A_64 {
          %add3A_80 = arith.constant 2 : i32
          %add3A_81 = arith.addi %add3A_53, %add3A_80 : i32
          %dma_start3A_82 = arith.constant 0 : i32
          %dma_start3A_83 = tpu.memref_slice %arg7[%add3A_81, %dma_start3A_82] : memref<40x128xi32, #tpu.memory_space<vmem>> -> memref<1x128xi32, #tpu.memory_space<vmem>>
          %dma_start3A_84 = tpu.memref_squeeze %dma_start3A_83 : memref<1x128xi32, #tpu.memory_space<vmem>> -> memref<128xi32, #tpu.memory_space<vmem>>
          %dma_start3A_85 = arith.constant 0 : i32
          %dma_start3A_86 = arith.constant 0 : i32
          %dma_start3A_87 = tpu.memref_slice %arg2[%dma_start3A_85, %dma_start3A_86] : memref<10240x128xf32, #tpu.memory_space<hbm>> -> memref<10240x128xf32, #tpu.memory_space<hbm>>
          tpu.enqueue_indirect_dma source(%dma_start3A_87 : memref<10240x128xf32, #tpu.memory_space<hbm>>) target(%arg9 : memref<128x128xf32, #tpu.memory_space<vmem>>) offsets(%dma_start3A_84 : memref<128xi32, #tpu.memory_space<vmem>>) semaphore(%arg11 : memref<!tpu.dma_semaphore, #tpu.memory_space<semaphore_mem>>)
        } else {
        }
        %add3A_65 = arith.constant 1 : i32
        %add3A_66 = arith.addi %mul3A_51, %add3A_65 : i32
        %dma_wait3A_67 = arith.constant 0 : i32
        %dma_wait3A_68 = tpu.memref_slice %arg7[%add3A_66, %dma_wait3A_67] : memref<40x128xi32, #tpu.memory_space<vmem>> -> memref<1x128xi32, #tpu.memory_space<vmem>>
        %dma_wait3A_69 = tpu.memref_squeeze %dma_wait3A_68 : memref<1x128xi32, #tpu.memory_space<vmem>> -> memref<128xi32, #tpu.memory_space<vmem>>
        %dma_wait3A_70 = arith.constant 0 : i32
        %dma_wait3A_71 = arith.constant 0 : i32
        %dma_wait3A_72 = tpu.memref_slice %arg2[%dma_wait3A_70, %dma_wait3A_71] : memref<10240x128xf32, #tpu.memory_space<hbm>> -> memref<10240x128xf32, #tpu.memory_space<hbm>>
        tpu.wait_indirect_dma semaphore(%arg12 : memref<!tpu.dma_semaphore, #tpu.memory_space<semaphore_mem>>) src(%dma_wait3A_72 : memref<10240x128xf32, #tpu.memory_space<hbm>>) dst(%arg10 : memref<128x128xf32, #tpu.memory_space<vmem>>)
        "tpu.region"() ({
          %run_scoped3A = tpu.sem_alloc : memref<!tpu.dma_semaphore, #tpu.memory_space<semaphore_mem>>
          %dma_start3A_80 = arith.constant 0 : i32
          %dma_start3A_81 = tpu.memref_slice %arg8[%add3A_66, %dma_start3A_80] : memref<40x128xi32, #tpu.memory_space<vmem>> -> memref<1x128xi32, #tpu.memory_space<vmem>>
          %dma_start3A_82 = tpu.memref_squeeze %dma_start3A_81 : memref<1x128xi32, #tpu.memory_space<vmem>> -> memref<128xi32, #tpu.memory_space<vmem>>
          %dma_start3A_83 = arith.constant 0 : i32
          %dma_start3A_84 = arith.constant 0 : i32
          %dma_start3A_85 = tpu.memref_slice %arg13[%dma_start3A_83, %dma_start3A_84] : memref<10240x128xf32, #tpu.memory_space<vmem_shared>> -> memref<10240x128xf32, #tpu.memory_space<vmem_shared>>
          tpu.enqueue_indirect_dma source(%arg10 : memref<128x128xf32, #tpu.memory_space<vmem>>) target(%dma_start3A_85 : memref<10240x128xf32, #tpu.memory_space<vmem_shared>>) offsets(%dma_start3A_82 : memref<128xi32, #tpu.memory_space<vmem>>) semaphore(%run_scoped3A : memref<!tpu.dma_semaphore, #tpu.memory_space<semaphore_mem>>) {add = true}
          %dma_wait3A_86 = arith.constant 0 : i32
          %dma_wait3A_87 = tpu.memref_slice %arg8[%add3A_66, %dma_wait3A_86] : memref<40x128xi32, #tpu.memory_space<vmem>> -> memref<1x128xi32, #tpu.memory_space<vmem>>
          %dma_wait3A_88 = tpu.memref_squeeze %dma_wait3A_87 : memref<1x128xi32, #tpu.memory_space<vmem>> -> memref<128xi32, #tpu.memory_space<vmem>>
          %dma_wait3A_89 = arith.constant 0 : i32
          %dma_wait3A_90 = arith.constant 0 : i32
          %dma_wait3A_91 = tpu.memref_slice %arg13[%dma_wait3A_89, %dma_wait3A_90] : memref<10240x128xf32, #tpu.memory_space<vmem_shared>> -> memref<10240x128xf32, #tpu.memory_space<vmem_shared>>
          tpu.wait_indirect_dma semaphore(%run_scoped3A : memref<!tpu.dma_semaphore, #tpu.memory_space<semaphore_mem>>) src(%arg10 : memref<128x128xf32, #tpu.memory_space<vmem>>) dst(%dma_wait3A_91 : memref<10240x128xf32, #tpu.memory_space<vmem_shared>>)
          tpu.yield
        }) : () -> ()
        %add3A_73 = arith.constant 2 : i32
        %add3A_74 = arith.addi %add3A_66, %add3A_73 : i32
        %lt3A_75 = arith.constant 40 : i32
        %lt3A_76 = arith.cmpi slt, %add3A_74, %lt3A_75 : i32
        %convert_element_type3A_77 = arith.extui %lt3A_76 : i1 to i32
        %cond3A_78 = arith.constant 0 : i32
        %cond3A_79 = arith.cmpi ne, %convert_element_type3A_77, %cond3A_78 : i32
        scf.if %cond3A_79 {
          %add3A_80 = arith.constant 2 : i32
          %add3A_81 = arith.addi %add3A_66, %add3A_80 : i32
          %dma_start3A_82 = arith.constant 0 : i32
          %dma_start3A_83 = tpu.memref_slice %arg7[%add3A_81, %dma_start3A_82] : memref<40x128xi32, #tpu.memory_space<vmem>> -> memref<1x128xi32, #tpu.memory_space<vmem>>
          %dma_start3A_84 = tpu.memref_squeeze %dma_start3A_83 : memref<1x128xi32, #tpu.memory_space<vmem>> -> memref<128xi32, #tpu.memory_space<vmem>>
          %dma_start3A_85 = arith.constant 0 : i32
          %dma_start3A_86 = arith.constant 0 : i32
          %dma_start3A_87 = tpu.memref_slice %arg2[%dma_start3A_85, %dma_start3A_86] : memref<10240x128xf32, #tpu.memory_space<hbm>> -> memref<10240x128xf32, #tpu.memory_space<hbm>>
          tpu.enqueue_indirect_dma source(%dma_start3A_87 : memref<10240x128xf32, #tpu.memory_space<hbm>>) target(%arg10 : memref<128x128xf32, #tpu.memory_space<vmem>>) offsets(%dma_start3A_84 : memref<128xi32, #tpu.memory_space<vmem>>) semaphore(%arg12 : memref<!tpu.dma_semaphore, #tpu.memory_space<semaphore_mem>>)
        } else {
        }
      }
      %scan3A_48 = arith.constant 20 : i32
    } else {
    }
    %barrier3A_24 = arith.constant 0 : index
    tpu.barrier barrier_id(%barrier3A_24)
    %mul3A_25 = arith.constant 640 : i32
    %mul3A_26 = arith.muli %arg1, %mul3A_25 : i32
    %mul3A_27 = arith.constant 640 : i32
    %mul3A_28 = arith.muli %arg1, %mul3A_27 : i32
    "tpu.region"() ({
      %run_scoped3A = tpu.sem_alloc : memref<!tpu.dma_semaphore, #tpu.memory_space<semaphore_mem>>
      %dma_start3A = arith.constant 0 : i32
      %dma_start3A_29 = arith.constant 0 : i32
      %dma_start3A_30 = tpu.memref_slice %arg6[%arg0, %dma_start3A, %dma_start3A_29] : memref<2x10240x128xf32, #tpu.memory_space<hbm>> -> memref<1x10240x128xf32, #tpu.memory_space<hbm>>
      %dma_start3A_31 = tpu.memref_squeeze %dma_start3A_30 : memref<1x10240x128xf32, #tpu.memory_space<hbm>> -> memref<10240x128xf32, #tpu.memory_space<hbm>>
      %dma_start3A_32 = arith.constant 0 : i32
      %dma_start3A_33 = tpu.memref_slice %dma_start3A_31[%mul3A_28, %dma_start3A_32] : memref<10240x128xf32, #tpu.memory_space<hbm>> -> memref<640x128xf32, #tpu.memory_space<hbm>>
      %dma_start3A_34 = arith.constant 0 : i32
      %dma_start3A_35 = tpu.memref_slice %arg13[%mul3A_26, %dma_start3A_34] : memref<10240x128xf32, #tpu.memory_space<vmem_shared>> -> memref<640x128xf32, #tpu.memory_space<vmem_shared>>
      tpu.enqueue_dma source(%dma_start3A_35 : memref<640x128xf32, #tpu.memory_space<vmem_shared>>) target(%dma_start3A_33 : memref<640x128xf32, #tpu.memory_space<hbm>>) target_semaphore(%run_scoped3A : memref<!tpu.dma_semaphore, #tpu.memory_space<semaphore_mem>>)
      %dma_wait3A = arith.constant 0 : i32
      %dma_wait3A_36 = arith.constant 0 : i32
      %dma_wait3A_37 = tpu.memref_slice %arg6[%arg0, %dma_wait3A, %dma_wait3A_36] : memref<2x10240x128xf32, #tpu.memory_space<hbm>> -> memref<1x10240x128xf32, #tpu.memory_space<hbm>>
      %dma_wait3A_38 = tpu.memref_squeeze %dma_wait3A_37 : memref<1x10240x128xf32, #tpu.memory_space<hbm>> -> memref<10240x128xf32, #tpu.memory_space<hbm>>
      %dma_wait3A_39 = arith.constant 0 : i32
      %dma_wait3A_40 = tpu.memref_slice %dma_wait3A_38[%mul3A_28, %dma_wait3A_39] : memref<10240x128xf32, #tpu.memory_space<hbm>> -> memref<640x128xf32, #tpu.memory_space<hbm>>
      %dma_wait3A_41 = arith.constant 0 : i32
      %dma_wait3A_42 = tpu.memref_slice %arg13[%mul3A_26, %dma_wait3A_41] : memref<10240x128xf32, #tpu.memory_space<vmem_shared>> -> memref<640x128xf32, #tpu.memory_space<vmem_shared>>
      tpu.wait_dma2 semaphore(%run_scoped3A : memref<!tpu.dma_semaphore, #tpu.memory_space<semaphore_mem>>) src(%dma_wait3A_42 : memref<640x128xf32, #tpu.memory_space<vmem_shared>>) dst(%dma_wait3A_40 : memref<640x128xf32, #tpu.memory_space<hbm>>)
      tpu.yield
    }) : () -> ()
    return
  }
}

module attributes {stable_mosaic.version = 14 : i64} {
  func.func @_mm1_body(%arg0: i32, %arg1: memref<640x128xf32, #tpu.memory_space<vmem>>, %arg2: memref<128x128xf32, #tpu.memory_space<vmem>>, %arg3: memref<1x128xf32, #tpu.memory_space<vmem>>, %arg4: memref<2x640x128xf32, #tpu.memory_space<vmem>>, %arg5: memref<640x128xf32, #tpu.memory_space<vmem>>, %arg6: memref<640x16xf32, #tpu.memory_space<vmem>>) attributes {dimension_semantics = [#tpu.dimension_semantics<arbitrary>], iteration_bounds = array<i64: 16>, scalar_prefetch = 0 : i64, scratch_operands = 0 : i64, tpu.core_type = #tpu.core_type<tc>, window_params = [{transform_indices = @transform_0, window_bounds = array<i64: 640, 128>}, {pipeline_mode = #tpu.pipeline_mode<synchronous>, transform_indices = @transform_1, window_bounds = array<i64: 128, 128>}, {pipeline_mode = #tpu.pipeline_mode<synchronous>, transform_indices = @transform_2, window_bounds = array<i64: 1, 128>}, {transform_indices = @transform_3, window_bounds = array<i64: 2, 640, 128>}, {transform_indices = @transform_4, window_bounds = array<i64: 640, 128>}, {transform_indices = @transform_5, window_bounds = array<i64: 640, 16>}]} {
    %get3A = arith.constant 0 : index
    %get3A_0 = arith.constant 0 : index
    %get3A_1 = arith.constant 0 : index
    %get3A_2 = vector.load %arg4[%get3A, %get3A_0, %get3A_1] : memref<2x640x128xf32, #tpu.memory_space<vmem>>, vector<1x640x1xf32>
    %get3A_3 = vector.shape_cast %get3A_2 : vector<1x640x1xf32> to vector<640xf32>
    %get3A_4 = arith.constant 1 : index
    %get3A_5 = arith.constant 0 : index
    %get3A_6 = arith.constant 0 : index
    %get3A_7 = vector.load %arg4[%get3A_4, %get3A_5, %get3A_6] : memref<2x640x128xf32, #tpu.memory_space<vmem>>, vector<1x640x1xf32>
    %get3A_8 = vector.shape_cast %get3A_7 : vector<1x640x1xf32> to vector<640xf32>
    %add3A = arith.addf %get3A_3, %get3A_8 : vector<640xf32>
    %add3A_9 = arith.constant 1.000000e+00 : f32
    %add3A_10 = vector.broadcast %add3A_9 : f32 to vector<640xf32>
    %add3A_11 = arith.addf %add3A, %add3A_10 : vector<640xf32>
    %rsqrt3A = math.rsqrt %add3A_11 : vector<640xf32>
    %get3A_12 = arith.constant 0 : index
    %get3A_13 = arith.constant 0 : index
    %get3A_14 = vector.load %arg1[%get3A_12, %get3A_13] : memref<640x128xf32, #tpu.memory_space<vmem>>, vector<640x128xf32>
    %get3A_15 = arith.constant 0 : index
    %get3A_16 = arith.constant 0 : index
    %get3A_17 = vector.load %arg2[%get3A_15, %get3A_16] : memref<128x128xf32, #tpu.memory_space<vmem>>, vector<128x128xf32>
    %dot_general3A = arith.constant dense<0.000000e+00> : vector<640x128xf32>
    %dot_general3A_18 = tpu.matmul %get3A_14, %get3A_17, %dot_general3A {dimension_numbers = #tpu.dot_dimension_numbers<[1], [0], [0], [1], [0, 0, 1, 1], [], []>, transpose_lhs_hint = false} : vector<640x128xf32>, vector<128x128xf32>, vector<640x128xf32> -> vector<640x128xf32>
    %mul3A = arith.constant 640 : i32
    %mul3A_19 = arith.muli %arg0, %mul3A : i32
    %iota3A = tpu.iota {dimensions = array<i32: 0>} : vector<640x1xi32>
    %add3A_20 = vector.broadcast %mul3A_19 : i32 to vector<640x1xi32>
    %add3A_21 = arith.addi %add3A_20, %iota3A : vector<640x1xi32>
    %lt3A = arith.constant 10000 : i32
    %lt3A_22 = vector.broadcast %lt3A : i32 to vector<640x1xi32>
    %lt3A_23 = arith.cmpi slt, %add3A_21, %lt3A_22 : vector<640x1xi32>
    %get3A_24 = arith.constant 0 : index
    %get3A_25 = arith.constant 0 : index
    %get3A_26 = vector.load %arg3[%get3A_24, %get3A_25] : memref<1x128xf32, #tpu.memory_space<vmem>>, vector<1x128xf32>
    %add3A_27 = vector.broadcast %get3A_26 : vector<1x128xf32> to vector<640x128xf32>
    %add3A_28 = arith.addf %dot_general3A_18, %add3A_27 : vector<640x128xf32>
    %broadcast_in_dim3A = vector.shape_cast %rsqrt3A : vector<640xf32> to vector<640x1xf32>
    %mul3A_29 = vector.broadcast %broadcast_in_dim3A : vector<640x1xf32> to vector<640x128xf32>
    %mul3A_30 = arith.mulf %add3A_28, %mul3A_29 : vector<640x128xf32>
    %jit3A = arith.constant 0.000000e+00 : f32
    %broadcast_in_dim3A_31 = vector.shape_cast %lt3A_23 : vector<640x1xi1> to vector<640x1xi1>
    %broadcast_in_dim3A_32 = vector.broadcast %broadcast_in_dim3A_31 : vector<640x1xi1> to vector<640x128xi1>
    %broadcast_in_dim3A_33 = vector.broadcast %jit3A : f32 to vector<640x128xf32>
    %select_n3A = arith.select %broadcast_in_dim3A_32, %mul3A_30, %broadcast_in_dim3A_33 : vector<640x128xi1>, vector<640x128xf32>
    %swap3A = arith.constant 0 : index
    %swap3A_34 = arith.constant 0 : index
    %swap3A_35 = vector.load %arg5[%swap3A, %swap3A_34] : memref<640x128xf32, #tpu.memory_space<vmem>>, vector<640x128xf32>
    tpu.vector_store %arg5[%swap3A, %swap3A_34], %select_n3A {strides = array<i32>} : memref<640x128xf32, #tpu.memory_space<vmem>>, vector<640x128xf32>,
    %broadcast_in_dim3A_36 = vector.shape_cast %rsqrt3A : vector<640xf32> to vector<640x1xf32>
    %broadcast_in_dim3A_37 = vector.shape_cast %broadcast_in_dim3A_36 : vector<640x1xf32> to vector<640x1xf32>
    %broadcast_in_dim3A_38 = vector.broadcast %broadcast_in_dim3A_37 : vector<640x1xf32> to vector<640x16xf32>
    %swap3A_39 = arith.constant 0 : index
    %swap3A_40 = arith.constant 0 : index
    %swap3A_41 = vector.load %arg6[%swap3A_39, %swap3A_40] : memref<640x16xf32, #tpu.memory_space<vmem>>, vector<640x16xf32>
    tpu.vector_store %arg6[%swap3A_39, %swap3A_40], %broadcast_in_dim3A_38 {strides = array<i32>} : memref<640x16xf32, #tpu.memory_space<vmem>>, vector<640x16xf32>,
    return
  }
  func.func @transform_0(%arg0: i32) -> (i32, i32) {
    %c0_i32 = arith.constant 0 : i32
    %c0_i32_0 = arith.constant 0 : i32
    return %arg0, %c0_i32 : i32, i32
  }
  func.func @transform_1(%arg0: i32) -> (i32, i32) {
    %c0_i32 = arith.constant 0 : i32
    %c0_i32_0 = arith.constant 0 : i32
    %c0_i32_1 = arith.constant 0 : i32
    return %c0_i32, %c0_i32_0 : i32, i32
  }
  func.func @transform_2(%arg0: i32) -> (i32, i32) {
    %c0_i32 = arith.constant 0 : i32
    %c0_i32_0 = arith.constant 0 : i32
    %c0_i32_1 = arith.constant 0 : i32
    return %c0_i32, %c0_i32_0 : i32, i32
  }
  func.func @transform_3(%arg0: i32) -> (i32, i32, i32) {
    %c0_i32 = arith.constant 0 : i32
    %c0_i32_0 = arith.constant 0 : i32
    %c0_i32_1 = arith.constant 0 : i32
    return %c0_i32, %arg0, %c0_i32_0 : i32, i32, i32
  }
  func.func @transform_4(%arg0: i32) -> (i32, i32) {
    %c0_i32 = arith.constant 0 : i32
    %c0_i32_0 = arith.constant 0 : i32
    return %arg0, %c0_i32 : i32, i32
  }
  func.func @transform_5(%arg0: i32) -> (i32, i32) {
    %c0_i32 = arith.constant 0 : i32
    %c0_i32_0 = arith.constant 0 : i32
    return %arg0, %c0_i32 : i32, i32
  }
}

module attributes {stable_mosaic.version = 14 : i64} {
  func.func @_post2_body(%arg0: i32, %arg1: memref<2x640x128xf32, #tpu.memory_space<vmem>>, %arg2: memref<640x16xf32, #tpu.memory_space<vmem>>, %arg3: memref<640x64xf32, #tpu.memory_space<vmem>>) attributes {dimension_semantics = [#tpu.dimension_semantics<arbitrary>], iteration_bounds = array<i64: 16>, scalar_prefetch = 0 : i64, scratch_operands = 0 : i64, tpu.core_type = #tpu.core_type<tc>, window_params = [{transform_indices = @transform_0, window_bounds = array<i64: 2, 640, 128>}, {transform_indices = @transform_1, window_bounds = array<i64: 640, 16>}, {transform_indices = @transform_2, window_bounds = array<i64: 640, 64>}]} {
    %get3A = arith.constant 0 : index
    %get3A_0 = arith.constant 0 : index
    %get3A_1 = vector.load %arg2[%get3A, %get3A_0] : memref<640x16xf32, #tpu.memory_space<vmem>>, vector<640x1xf32>
    %get3A_2 = vector.shape_cast %get3A_1 : vector<640x1xf32> to vector<640xf32>
    %get3A_3 = arith.constant 0 : index
    %get3A_4 = arith.constant 0 : index
    %get3A_5 = arith.constant 0 : index
    %get3A_6 = vector.load %arg1[%get3A_3, %get3A_4, %get3A_5] : memref<2x640x128xf32, #tpu.memory_space<vmem>>, vector<1x640x64xf32>
    %get3A_7 = vector.shape_cast %get3A_6 : vector<1x640x64xf32> to vector<640x64xf32>
    %get3A_8 = arith.constant 1 : index
    %get3A_9 = arith.constant 0 : index
    %get3A_10 = arith.constant 0 : index
    %get3A_11 = vector.load %arg1[%get3A_8, %get3A_9, %get3A_10] : memref<2x640x128xf32, #tpu.memory_space<vmem>>, vector<1x640x64xf32>
    %get3A_12 = vector.shape_cast %get3A_11 : vector<1x640x64xf32> to vector<640x64xf32>
    %add3A = arith.addf %get3A_7, %get3A_12 : vector<640x64xf32>
    %broadcast_in_dim3A = vector.shape_cast %get3A_2 : vector<640xf32> to vector<640x1xf32>
    %mul3A = vector.broadcast %broadcast_in_dim3A : vector<640x1xf32> to vector<640x64xf32>
    %mul3A_13 = arith.mulf %add3A, %mul3A : vector<640x64xf32>
    %reduce_max3A = arith.constant dense<0xFF800000> : vector<640xf32>
    %reduce_max3A_14 = vector.multi_reduction <maximumf>, %mul3A_13, %reduce_max3A [1] : vector<640x64xf32> to vector<640xf32>
    %broadcast_in_dim3A_15 = vector.shape_cast %reduce_max3A_14 : vector<640xf32> to vector<640x1xf32>
    %sub3A = vector.broadcast %broadcast_in_dim3A_15 : vector<640x1xf32> to vector<640x64xf32>
    %sub3A_16 = arith.subf %mul3A_13, %sub3A : vector<640x64xf32>
    %exp3A = math.exp %sub3A_16 : vector<640x64xf32>
    %sub3A_17 = vector.broadcast %broadcast_in_dim3A_15 : vector<640x1xf32> to vector<640x64xf32>
    %sub3A_18 = arith.subf %mul3A_13, %sub3A_17 : vector<640x64xf32>
    %reduce_sum3A = arith.constant dense<0.000000e+00> : vector<640xf32>
    %reduce_sum3A_19 = vector.multi_reduction <add>, %exp3A, %reduce_sum3A [1] : vector<640x64xf32> to vector<640xf32>
    %broadcast_in_dim3A_20 = vector.shape_cast %reduce_sum3A_19 : vector<640xf32> to vector<640x1xf32>
    %log3A = math.log %broadcast_in_dim3A_20 : vector<640x1xf32>
    %sub3A_21 = vector.broadcast %log3A : vector<640x1xf32> to vector<640x64xf32>
    %sub3A_22 = arith.subf %sub3A_18, %sub3A_21 : vector<640x64xf32>
    %swap3A = arith.constant 0 : index
    %swap3A_23 = arith.constant 0 : index
    %swap3A_24 = vector.load %arg3[%swap3A, %swap3A_23] : memref<640x64xf32, #tpu.memory_space<vmem>>, vector<640x64xf32>
    tpu.vector_store %arg3[%swap3A, %swap3A_23], %sub3A_22 {strides = array<i32>} : memref<640x64xf32, #tpu.memory_space<vmem>>, vector<640x64xf32>,
    return
  }
  func.func @transform_0(%arg0: i32) -> (i32, i32, i32) {
    %c0_i32 = arith.constant 0 : i32
    %c0_i32_0 = arith.constant 0 : i32
    %c0_i32_1 = arith.constant 0 : i32
    return %c0_i32, %arg0, %c0_i32_0 : i32, i32, i32
  }
  func.func @transform_1(%arg0: i32) -> (i32, i32) {
    %c0_i32 = arith.constant 0 : i32
    %c0_i32_0 = arith.constant 0 : i32
    return %arg0, %c0_i32 : i32, i32
  }
  func.func @transform_2(%arg0: i32) -> (i32, i32) {
    %c0_i32 = arith.constant 0 : i32
    %c0_i32_0 = arith.constant 0 : i32
    return %arg0, %c0_i32 : i32, i32
  }
}

module attributes {stable_mosaic.version = 14 : i64} {
  func.func @_post1_body(%arg0: i32, %arg1: memref<2x640x128xf32, #tpu.memory_space<vmem>>, %arg2: memref<640x16xf32, #tpu.memory_space<vmem>>, %arg3: memref<128x128xf32, #tpu.memory_space<vmem>>, %arg4: memref<1x128xf32, #tpu.memory_space<vmem>>, %arg5: memref<640x128xf32, #tpu.memory_space<vmem>>) attributes {dimension_semantics = [#tpu.dimension_semantics<arbitrary>], iteration_bounds = array<i64: 16>, scalar_prefetch = 0 : i64, scratch_operands = 0 : i64, tpu.core_type = #tpu.core_type<tc>, window_params = [{transform_indices = @transform_0, window_bounds = array<i64: 2, 640, 128>}, {transform_indices = @transform_1, window_bounds = array<i64: 640, 16>}, {pipeline_mode = #tpu.pipeline_mode<synchronous>, transform_indices = @transform_2, window_bounds = array<i64: 128, 128>}, {pipeline_mode = #tpu.pipeline_mode<synchronous>, transform_indices = @transform_3, window_bounds = array<i64: 1, 128>}, {transform_indices = @transform_4, window_bounds = array<i64: 640, 128>}]} {
    %get3A = arith.constant 0 : index
    %get3A_0 = arith.constant 0 : index
    %get3A_1 = vector.load %arg2[%get3A, %get3A_0] : memref<640x16xf32, #tpu.memory_space<vmem>>, vector<640x1xf32>
    %get3A_2 = vector.shape_cast %get3A_1 : vector<640x1xf32> to vector<640xf32>
    %get3A_3 = arith.constant 0 : index
    %get3A_4 = arith.constant 0 : index
    %get3A_5 = arith.constant 0 : index
    %get3A_6 = vector.load %arg1[%get3A_3, %get3A_4, %get3A_5] : memref<2x640x128xf32, #tpu.memory_space<vmem>>, vector<1x640x128xf32>
    %get3A_7 = vector.shape_cast %get3A_6 : vector<1x640x128xf32> to vector<640x128xf32>
    %get3A_8 = arith.constant 1 : index
    %get3A_9 = arith.constant 0 : index
    %get3A_10 = arith.constant 0 : index
    %get3A_11 = vector.load %arg1[%get3A_8, %get3A_9, %get3A_10] : memref<2x640x128xf32, #tpu.memory_space<vmem>>, vector<1x640x128xf32>
    %get3A_12 = vector.shape_cast %get3A_11 : vector<1x640x128xf32> to vector<640x128xf32>
    %add3A = arith.addf %get3A_7, %get3A_12 : vector<640x128xf32>
    %broadcast_in_dim3A = vector.shape_cast %get3A_2 : vector<640xf32> to vector<640x1xf32>
    %mul3A = vector.broadcast %broadcast_in_dim3A : vector<640x1xf32> to vector<640x128xf32>
    %mul3A_13 = arith.mulf %add3A, %mul3A : vector<640x128xf32>
    %max3A = arith.constant 0.000000e+00 : f32
    %max3A_14 = vector.broadcast %max3A : f32 to vector<640x128xf32>
    %max3A_15 = arith.maximumf %mul3A_13, %max3A_14 : vector<640x128xf32>
    %get3A_16 = arith.constant 0 : index
    %get3A_17 = arith.constant 0 : index
    %get3A_18 = vector.load %arg3[%get3A_16, %get3A_17] : memref<128x128xf32, #tpu.memory_space<vmem>>, vector<128x128xf32>
    %dot_general3A = arith.constant dense<0.000000e+00> : vector<640x128xf32>
    %dot_general3A_19 = tpu.matmul %max3A_15, %get3A_18, %dot_general3A {dimension_numbers = #tpu.dot_dimension_numbers<[1], [0], [0], [1], [0, 0, 1, 1], [], []>, transpose_lhs_hint = false} : vector<640x128xf32>, vector<128x128xf32>, vector<640x128xf32> -> vector<640x128xf32>
    %mul3A_20 = arith.constant 640 : i32
    %mul3A_21 = arith.muli %arg0, %mul3A_20 : i32
    %iota3A = tpu.iota {dimensions = array<i32: 0>} : vector<640x1xi32>
    %add3A_22 = vector.broadcast %mul3A_21 : i32 to vector<640x1xi32>
    %add3A_23 = arith.addi %add3A_22, %iota3A : vector<640x1xi32>
    %lt3A = arith.constant 10000 : i32
    %lt3A_24 = vector.broadcast %lt3A : i32 to vector<640x1xi32>
    %lt3A_25 = arith.cmpi slt, %add3A_23, %lt3A_24 : vector<640x1xi32>
    %get3A_26 = arith.constant 0 : index
    %get3A_27 = arith.constant 0 : index
    %get3A_28 = vector.load %arg4[%get3A_26, %get3A_27] : memref<1x128xf32, #tpu.memory_space<vmem>>, vector<1x128xf32>
    %add3A_29 = vector.broadcast %get3A_28 : vector<1x128xf32> to vector<640x128xf32>
    %add3A_30 = arith.addf %dot_general3A_19, %add3A_29 : vector<640x128xf32>
    %broadcast_in_dim3A_31 = vector.shape_cast %get3A_2 : vector<640xf32> to vector<640x1xf32>
    %mul3A_32 = vector.broadcast %broadcast_in_dim3A_31 : vector<640x1xf32> to vector<640x128xf32>
    %mul3A_33 = arith.mulf %add3A_30, %mul3A_32 : vector<640x128xf32>
    %jit3A = arith.constant 0.000000e+00 : f32
    %broadcast_in_dim3A_34 = vector.shape_cast %lt3A_25 : vector<640x1xi1> to vector<640x1xi1>
    %broadcast_in_dim3A_35 = vector.broadcast %broadcast_in_dim3A_34 : vector<640x1xi1> to vector<640x128xi1>
    %broadcast_in_dim3A_36 = vector.broadcast %jit3A : f32 to vector<640x128xf32>
    %select_n3A = arith.select %broadcast_in_dim3A_35, %mul3A_33, %broadcast_in_dim3A_36 : vector<640x128xi1>, vector<640x128xf32>
    %swap3A = arith.constant 0 : index
    %swap3A_37 = arith.constant 0 : index
    %swap3A_38 = vector.load %arg5[%swap3A, %swap3A_37] : memref<640x128xf32, #tpu.memory_space<vmem>>, vector<640x128xf32>
    tpu.vector_store %arg5[%swap3A, %swap3A_37], %select_n3A {strides = array<i32>} : memref<640x128xf32, #tpu.memory_space<vmem>>, vector<640x128xf32>,
    return
  }
  func.func @transform_0(%arg0: i32) -> (i32, i32, i32) {
    %c0_i32 = arith.constant 0 : i32
    %c0_i32_0 = arith.constant 0 : i32
    %c0_i32_1 = arith.constant 0 : i32
    return %c0_i32, %arg0, %c0_i32_0 : i32, i32, i32
  }
  func.func @transform_1(%arg0: i32) -> (i32, i32) {
    %c0_i32 = arith.constant 0 : i32
    %c0_i32_0 = arith.constant 0 : i32
    return %arg0, %c0_i32 : i32, i32
  }
  func.func @transform_2(%arg0: i32) -> (i32, i32) {
    %c0_i32 = arith.constant 0 : i32
    %c0_i32_0 = arith.constant 0 : i32
    %c0_i32_1 = arith.constant 0 : i32
    return %c0_i32, %c0_i32_0 : i32, i32
  }
  func.func @transform_3(%arg0: i32) -> (i32, i32) {
    %c0_i32 = arith.constant 0 : i32
    %c0_i32_0 = arith.constant 0 : i32
    %c0_i32_1 = arith.constant 0 : i32
    return %c0_i32, %c0_i32_0 : i32, i32
  }
  func.func @transform_4(%arg0: i32) -> (i32, i32) {
    %c0_i32 = arith.constant 0 : i32
    %c0_i32_0 = arith.constant 0 : i32
    return %arg0, %c0_i32 : i32, i32
  }
}

</mosaic_0001>

<sc_bundles>
// kernel: kernel.11.cloned.1.call-start
scs
__scs_entry_jumppad:
0x0: {  	(pc) =	sbr.rel $0x88, $3  }
0x1: {  	(tag) =	ssettag $0x0;
	lr =	simm.s32 $0x1  }
0x2: {  	[smem:$0x3F9B] =	sst lr;
	_ =	strace $0xD0000000  }
0x3: {  	_ = 	snop  }
0x4: {  	_ = 	snop  }
0x5: {  	_ = 	snop  }
0x6: {  	_ = 	snop  }
0x7: {  	_ = 	snop  }
__scs_overlays_trampoline_lowered:
0x8: {  	[smem:$0x3FAA] =	sst s0  }
0x9: {  	[smem:$0x3FAB] =	sst s1  }
0xa: {  	[smem:$0x3FAC] =	sst s2  }
0xb: {  	[smem:$0x3FAD] =	sst s3  }
0xc: {  	[smem:$0x3FAE] =	sst s4  }
0xd: {  	[smem:$0x3FAF] =	sst s5  }
0xe: {  	[smem:$0x3FB0] =	sst s6  }
0xf: {  	[smem:$0x3FB1] =	sst s7  }
0x10: {  	[smem:$0x3FB2] =	sst s8  }
0x11: {  	[smem:$0x3FB3] =	sst s9;
	s0 =	simm.s32 @!p0 $0x0  }
0x12: {  	s1 =	sld [smem:$0x3F99];
	s0 =	simm.s32 @p0 $0x1  }
0x13: {  	[smem:$0x3FB4] =	sst s0;
	s0 =	simm.s32 @!p1 $0x0  }
0x14: {  	s2 =	sld [smem:$0x3F98];
	s0 =	simm.s32 @p1 $0x1  }
0x15: {  	[smem:$0x3FB5] =	sst s0;
	s0 =	simm.s32 @!p2 $0x0  }
0x16: {  	s3 =	sld [smem:$0x3FDB];
	s0 =	simm.s32 @p2 $0x1  }
0x17: {  	s4 =	simm.s32 $0x1BF5;
	[smem:$0x3FB7] =	sst s0  }
0x18: {  	s0 =	sld [smem:$0x3F9A];
	_ =	swait.ge [sflag:s4], $0x0  }
0x19: {  	s7 =	sld [smem:$0x3F9B]  }
0x1a: {  	s8 =	sadd.s32 $0xFFFFE003, lr  }
0x1b: {  	s9 =	sadd.s32 $0xFFFFFEF7, lr;
	s5 =	simm.s32 $0xFFFFFFFF;
	p2 =	slt.u32 s8, $0xFFFFF086  }
0x1c: {  	p1 =	slt.u32 s9, $0xF7A;
	s5 =	simm.s32 @!p2 $0x0  }
0x1d: {  	s5 =	simm.s32 @p1 $0x1;
	p0 =	seq.s32 s7, s2  }
0x1e: {  	s7 =	smul.u32 @!p0 $0xF7A, s2;
	p2 =	seq.s32 @!p0 s5, $0x0  }
0x1f: {  	s9 =	smul.u32 $0xF7A, s1;
	s8 =	simm.s32 @!p0 $0x1BF5;
	p2 =	por !p2, p0  }
0x20: {  	[sflag:s8] =	ssyncset.s32 @!p0 $0xFFFFF086;
	s6 =	sadd.s32 @!p0 s3, s7;
	s7 =	simm.s32 @!p0 $0x108  }
0x21: {  	s3 =	sadd.s32 s3, s9;
	s6 =	sadd.s32 @!p0 $0x88, s6;
	s7 =	simm.s32 @p2 $0x1082  }
0x22: {  	[simem:s7], [sflag:s8] =	dma.local @!p0 [hbm:s6], $0xF7A  }
0x23: {  	s9 =	sor.u32 $0xD0000000, s2;
	s6 =	simm.s32 $0x108;
	_ =	swait.ge @!p0 [sflag:s8], $0x0  }
0x24: {  	s3 =	sadd.s32 $0x88, s3;
	s6 =	simm.s32 @!p1 $0x1082;
	[sflag:s4] =	ssyncset.s32 $0xFFFFF086  }
0x25: {  	[simem:s6], [sflag:s4] =	dma.local [hbm:s3], $0xF7A  }
0x26: {  	[smem:$0x3F9B] =	sst s1;
	(tag) =	ssettag s2;
	_ =	strace s9  }
0x27: {  	s1 =	sld [smem:$0x3FAB]  }
0x28: {  	s2 =	sld [smem:$0x3FAC]  }
0x29: {  	s4 =	sld [smem:$0x3FAE]  }
0x2a: {  	p0 =	seq.s32 s5, $0x0;
	s5 =	sld [smem:$0x3FAF]  }
0x2b: {  	s6 =	sld [smem:$0x3FB0]  }
0x2c: {  	s7 =	sld [smem:$0x3FB1]  }
0x2d: {  	s3 =	simm.s32 $0x108;
	s8 =	sld [smem:$0x3FB2]  }
0x2e: {  	s3 =	simm.s32 @!p0 $0x1082;
	s9 =	sld [smem:$0x3FB3]  }
0x2f: {  	lr =	sadd.s32 s0, s3;
	s0 =	sld [smem:$0x3FAA]  }
0x30: {  	s3 =	sld [smem:$0x3FAD]  }
0x31: {  	[smem:$0x3FB6] =	sst s10  }
0x32: {  	s10 =	sld [smem:$0x3FB4];
	_ =	sdelay $0x3  }
0x33: {  	p0 =	seq.s32 s10, $0x1;
	s10 =	sld [smem:$0x3FB6];
	_ =	sdelay $0x3  }
0x34: {  	[smem:$0x3FB6] =	sst s10  }
0x35: {  	s10 =	sld [smem:$0x3FB5];
	_ =	sdelay $0x3  }
0x36: {  	p1 =	seq.s32 s10, $0x1;
	s10 =	sld [smem:$0x3FB6];
	_ =	sdelay $0x3  }
0x37: {  	[smem:$0x3FB6] =	sst s10  }
0x38: {  	s10 =	sld [smem:$0x3FB7]  }
0x39: {  	_ = 	snop;
	(pc) =	sbr.ind lr, $3  }
0x3a: {  	_ = 	snop  }
0x3b: {  	_ = 	snop  }
0x3c: {  	p2 =	seq.s32 s10, $0x1;
	s10 =	sld [smem:$0x3FB6]  }
0x3d: {  	_ =	shalt  }
0x3e: {  	_ =	shalt  }
0x3f: {  	_ =	shalt  }
0x40: {  	_ =	shalt  }
0x41: {  	_ =	shalt  }
0x42: {  	_ =	shalt  }
0x43: {  	_ =	shalt  }
0x44: {  	_ =	shalt  }
0x45: {  	_ =	shalt  }
0x46: {  	_ =	shalt  }
0x47: {  	_ =	shalt  }
0x48: {  	_ =	shalt  }
0x49: {  	_ =	shalt  }
0x4a: {  	_ =	shalt  }
0x4b: {  	_ =	shalt  }
0x4c: {  	_ =	shalt  }
0x4d: {  	_ =	shalt  }
0x4e: {  	_ =	shalt  }
0x4f: {  	_ =	shalt  }
0x50: {  	_ =	shalt  }
0x51: {  	_ =	shalt  }
0x52: {  	_ =	shalt  }
0x53: {  	_ =	shalt  }
0x54: {  	_ =	shalt  }
0x55: {  	_ =	shalt  }
0x56: {  	_ =	shalt  }
0x57: {  	_ =	shalt  }
0x58: {  	_ =	shalt  }
0x59: {  	_ =	shalt  }
0x5a: {  	_ =	shalt  }
0x5b: {  	_ =	shalt  }
0x5c: {  	_ =	shalt  }
0x5d: {  	_ =	shalt  }
0x5e: {  	_ =	shalt  }
0x5f: {  	_ =	shalt  }
0x60: {  	_ =	shalt  }
0x61: {  	_ =	shalt  }
0x62: {  	_ =	shalt  }
0x63: {  	_ =	shalt  }
0x64: {  	_ =	shalt  }
0x65: {  	_ =	shalt  }
0x66: {  	_ =	shalt  }
0x67: {  	_ =	shalt  }
0x68: {  	_ =	shalt  }
0x69: {  	_ =	shalt  }
0x6a: {  	_ =	shalt  }
0x6b: {  	_ =	shalt  }
0x6c: {  	_ =	shalt  }
0x6d: {  	_ =	shalt  }
0x6e: {  	_ =	shalt  }
0x6f: {  	_ =	shalt  }
0x70: {  	_ =	shalt  }
0x71: {  	_ =	shalt  }
0x72: {  	_ =	shalt  }
0x73: {  	_ =	shalt  }
0x74: {  	_ =	shalt  }
0x75: {  	_ =	shalt  }
0x76: {  	_ =	shalt  }
0x77: {  	_ =	shalt  }
0x78: {  	_ =	shalt  }
0x79: {  	_ =	shalt  }
0x7a: {  	_ =	shalt  }
0x7b: {  	_ =	shalt  }
0x7c: {  	_ =	shalt  }
0x7d: {  	_ =	shalt  }
0x7e: {  	_ =	shalt  }
0x7f: {  	_ =	shalt  }
0x80: {  	_ =	shalt  }
0x81: {  	_ =	shalt  }
0x82: {  	_ =	shalt  }
0x83: {  	_ =	shalt  }
0x84: {  	_ =	shalt  }
0x85: {  	_ =	shalt  }
0x86: {  	_ =	shalt  }
0x87: {  	_ =	shalt  }
.Lfunc_end0:
.L_simem_size_0:
called_computation.1_lowered:
.L_overlay_start_0:
0x88: {  	s2 =	sld [smem:$0x3FD9]  }
0x89: {  	s3 =	sld [smem:$0x3FFE];
	_ =	sdelay $0x1  }
0x8a: {  	s1 =	srdreg.scid  }
0x8b: {  	s0 =	sand.u32 $0x1, s1  }
0x8c: {  	s17 =	sshll.u32 s0, $0xA;
	s2 =	sadd.s32 s3, s2  }
0x8d: {  	s2 =	sadd.s32 s2, s17  }
0x8e: {  	[smem:$0x3FC2] =	sst s2  }
0x8f: {  	_ = 	snop  }
0x90: {  	s2 =	sld [smem:$0x3FD0];
	(tm) =	ssettm $0x1  }
0x91: {  	s18 =	sld [smem:$0x3FFB];
	_ =	sdelay $0x3  }
0x92: {  	_ =	strace s18  }
0x93: {  	s3 =	sld [smem:$0x3FFC];
	_ =	sdelay $0x3  }
0x94: {  	_ =	strace s3  }
0x95: {  	s3 =	sld [smem:$0x3FFD];
	_ =	sdelay $0x3  }
0x96: {  	_ =	strace s3  }
0x97: {  	_ =	strace $0x8FFFFFFF  }
0x98: {  	s19 =	sld [smem:$0x3FDB];
	_ =	sdelay $0x1  }
0x99: {  	s4 =	simm.s32 $_scs_section_size  }
0x9a: {  	s5 =	simm.s32 $_size__tile_overlayer_lowered;
	s6 =	simm.s32 $_tile_overlayer_lowered  }
0x9b: {  	s22 =	simm.s32 $0x1BFF;
	s21 =	sshll.u32 s6, $0x1;
	s3 =	sadd.s32 s4, s19  }
0x9c: {  	s7 =	simm.s32 $0x0;
	s20 =	sshll.u32 s5, $0x1;
	s5 =	sadd.s32 s21, s3  }
0x9d: {  	[timem:s7], [sflag:s22] =	dma.local [hbm:s5], s20  }
0x9e: {  	_ =	swait.ge [sflag:s22], s20  }
0x9f: {  	s4 =	ssub.s32 $0x0, s20;
	[sflag:s22] =	ssyncset.done $0x0  }
0xa0: {  	[sflag:s22] =	ssyncadd.s32 s4;
	_ =	sdelay $0x1  }
0xa1: {  	s23 =	simm.s32 $0x1B8B  }
0xa2: {  	_ =	swait.ge [sflag:s23], $0x1  }
0xa3: {  	[sflag:s23] =	ssyncset.done $0x0  }
0xa4: {  	s25 =	simm.s32 $0x1B8E;
	s24 =	sld [smem:$0x3FFE];
	[sflag:s23] =	ssyncadd.s32 $0xFFFFFFFF  }
0xa5: {  	s26 =	simm.s32 $execute0_lowered;
	[smem:$0x3FD2] =	sst s25  }
0xa6: {  	s5 =	sshll.u32 s26, $0x1;
	_ =	strace $0x80000049;
	[dreg:$0x1] =	wrdreg $0xFFFFFFFF  }
0xa7: {  	s28 =	simm.s32 $_size_execute0_lowered;
	s3 =	sadd.s32 s3, s5;
	[dreg:$0x0] =	wrdreg $0x0  }
0xa8: {  	s5 =	sshll.u32 s28, $0x1;
	[dreg:$0x2] =	wrdreg s3  }
0xa9: {  	[dreg:$0x3] =	wrdreg s5  }
0xaa: {  	[dreg:$0x4] =	wrdreg $0xC0  }
0xab: {  	_ =	task [dreg:s7], $0x5FFFF  }
0xac: {  	[dreg:$0x1] =	wrdreg $0xFFFFFFFF  }
0xad: {  	[dreg:$0x0] =	wrdreg $0x60  }
0xae: {  	[dreg:$0x2] =	wrdreg s24  }
0xaf: {  	[dreg:$0x3] =	wrdreg s2  }
0xb0: {  	[dreg:$0x4] =	wrdreg $0xA8000  }
0xb1: {  	[dreg:$0x5] =	wrdreg $0x9  }
0xb2: {  	_ =	task.clear_ibuf [dreg:s7], $0x6FFFF;
	_ =	strace $0x90000049  }
0xb3: {  	s29 =	simm.s32 $0x9;
	_ =	strace $0x8000004B  }
0xb4: {  	_ =	swait.ge [sflag:s29], $0x1  }
0xb5: {  	[sflag:s29] =	ssyncadd.s32 $0xFFFFFFFF  }
0xb6: {  	_ =	strace $0x9000004B  }
0xb7: {  	_ =	sfence  }
0xb8: {  	s30 =	sld [smem:$0x0];
	_ =	sdelay $0x2  }
0xb9: {  	s31 =	sshll.u32 s1, $0xD;
	s1 =	sshrl.u32 s1, $0x2  }
0xba: {  	s3 =	sand.u32 $0x4000, s31;
	s1 =	sadd.s32 s1, s30  }
0xbb: {  	s0 =	sor.u32 s3, s0;
	s1 =	sshll.u32 s1, $0x11  }
0xbc: {  	s0 =	sor.u32 s1, s0  }
0xbd: {  	s0 =	sadd.s32 $0x8F2B, s0  }
0xbe: {  	[sflag:s0] =	ssyncadd.remote.s32 $0x1  }
0xbf: {  	_ =	sfence.sel $0xFFFF  }
0xc0: {  	[dreg:$0x0] =	wrdreg $0xFFFFFFFF;
	(pc) =	sbr.abs _section_cstart, $3  }
0xc1: {  	[dreg:$0x1] =	wrdreg $0xFFFFFFFF  }
0xc2: {  	_ =	task.clear_ibuf [dreg:s7], $0x2FFFF;
	_ =	strace $0x9FFFFFFF  }
0xc3: {  	(tm) =	ssettm $0x7FFFFFFF  }
tec
execute0_lowered:
.L_overlay_start_1:
0x0: {  	(tag) =	ssettag $0x1  }
0x1: {  	s5 =	rddreg [dreg:$0x0]  }
0x2: {  	s8 =	rddreg [dreg:$0x1]  }
0x3: {  	s1 =	rddreg [dreg:$0x2]  }
0x4: {  	s0 =	rddreg [dreg:$0x3];
	s2 =	simm.s32 $0x0  }
0x5: {  	s3 =	srdreg.scid;
	s16 =	simm.s32 $0x2800;
	s17 =	simm.s32 $0x6800  }
0x6: {  	s18 =	simm.s32 $0x1;
	s19 =	simm.s32 $0x2;
	s20 =	simm.s32 $0x2700  }
0x7: {  	s21 =	simm.s32 $0x2780;
	[smem:$0x7FF] =	sst s2;
	s10 =	sand.u32 $0x1, s3  }
0x8: {  	s3 =	stileid.u32;
	s4 =	sadd.s32 $0xE800, s5;
	s6 =	smul.u32 $0x28000, s10  }
0x9: {  	s9 =	sadd.s32 $0x2000, s5;
	s11 =	sadd.s32 $0xC000, s5;
	s7 =	smul.u32 $0x50000, s3  }
0xa: {  	_ =	strace $0x8000004A;
	s12 =	ssub.s32 $0x2, s10;
	s13 =	smul.u32 $0x500, s3  }
0xb: {  	p0 =	seq.s32 s10, $0x0;
	s22 =	smul.u32 $0x2800, s3;
	s31 =	sshll.u32 s3, $0x6  }
0xc: {  	s29 =	sshrl.u32 s12, $0x1;
	s14 =	sadd.s32 s6, s5;
	s30 =	sshrl.u32 s7, $0x2  }
0xd: {  	s7 =	sadd.s32 $0x5000, s13;
	s12 =	ssub.s32 s12, s29;
	s5 =	sadd.s32 s4, s22  }
0xe: {  	s15 =	sadd.s32 s30, s1;
	s7 =	smov.u32 @p0 s13;
	s23 =	sadd.s32 $0x36800, s14  }
0xf: {  	p0 =	sne.s32 s10, $0x0;
	s10 =	smax.u32 s12, $0x1;
	s14 =	simm.s32 $0x1400  }
0x10: {  	s6 =	sadd.s32 s8, s7;
	s13 =	sadd.s32 $0x280, s7;
	s7 =	sadd.s32 s9, s7  }
0x11: {  	s5 =	smov.u32 @p0 s11;
	s11 =	sor.u32 $0x1C03, s31;
	s12 =	sshrl.u32 s15, $0x3  }
0x12: {  	s15 =	simm.s32 $0x80;
	s22 =	sadd.s32 s22, s23;
	s23 =	simm.s32 $0x0  }
0x13: {  	s8 =	sadd.s32 s8, s13;
	s9 =	sadd.s32 s9, s13;
	s13 =	simm.s32 $0x3  }
.LBB2_1:
0x14: {  	[spmem:s12], [sflag:s11] =	dma.local [hbm:s5], $0x2800  }
0x15: {  	_ =	swait.ge [sflag:s13], $0x2800  }
0x16: {  	[sflag:s13] =	ssyncset.done $0x0  }
0x17: {  	[sflag:s13] =	ssyncadd.s32 $0xFFFFD800  }
0x18: {  	[bflag:$0x0] =	sbarrier.arrive $0xFFFF  }
0x19: {  	[tilespmem:s2], [sflag:$0x3] =	stream.linear.gather [hbm4b:s6+s2], $0x1400, $0x38;
	[tilespmem:$0x1E800] =	vst v63  }
0x1a: {  	_ =	swait.ge [sflag:s13], $0x1400  }
0x1b: {  	[sflag:s13] =	ssyncset.done $0x0  }
0x1c: {  	[sflag:s13] =	ssyncadd.s32 $0xFFFFEC00  }
0x1d: {  	[tilespmem:s14], [sflag:$0x3] =	stream.linear.gather [hbm4b:s7+s2], $0x1400, $0x38;
	[tilespmem:$0x1E800] =	vst v63  }
0x1e: {  	_ =	swait.ge [sflag:s13], $0x1400  }
0x1f: {  	[sflag:s13] =	ssyncset.done $0x0  }
0x20: {  	[sflag:s13] =	ssyncadd.s32 $0xFFFFEC00  }
0x21: {  	[tilespmem:s16], [sflag:$0x1] =	stream.indirect.gather [hbm4b:s4+s15], $0x80, s2, s15, $0xb8;
	[tilespmem:$0x1E800] =	vst v63  }
0x22: {  	_ = 	snop  }
0x23: {  	[tilespmem:s17], [sflag:$0x2] =	stream.indirect.gather [hbm4b:s4+s15], $0x80, s15, s15, $0xb8;
	[tilespmem:$0x1E800] =	vst v63  }
0x24: {  	_ =	swait.ge [sflag:s18], $0x4000  }
0x25: {  	[sflag:s18] =	ssyncset.done $0x0  }
0x26: {  	s24 =	simm.s32 $0x1400;
	[sflag:s18] =	ssyncadd.s32 $0xFFFFC000  }
0x27: {  	[spmem:s1] =	stream.indirect.scatter.add.f32 [tilespmem:s16], [sflag:$0x3], $0x80, s24, s15, $0xb8;
	[tilespmem:$0x1E800] =	vst v63  }
0x28: {  	_ =	swait.ge [sflag:s13], $0x4000  }
0x29: {  	[sflag:s13] =	ssyncset.done $0x0  }
0x2a: {  	s30 =	simm.s32 $0x100;
	[sflag:s13] =	ssyncadd.s32 $0xFFFFC000  }
0x2b: {  	[tilespmem:s16], [sflag:$0x1] =	stream.indirect.gather [hbm4b:s4+s15], $0x80, s30, s15, $0xb8;
	[tilespmem:$0x1E800] =	vst v63  }
0x2c: {  	_ =	swait.ge [sflag:s19], $0x4000  }
0x2d: {  	[sflag:s19] =	ssyncset.done $0x0  }
0x2e: {  	s31 =	simm.s32 $0x1480;
	[sflag:s19] =	ssyncadd.s32 $0xFFFFC000  }
0x2f: {  	[spmem:s1] =	stream.indirect.scatter.add.f32 [tilespmem:s17], [sflag:$0x3], $0x80, s31, s15, $0xb8;
	[tilespmem:$0x1E800] =	vst v63  }
0x30: {  	_ =	swait.ge [sflag:s13], $0x4000  }
0x31: {  	[sflag:s13] =	ssyncset.done $0x0  }
0x32: {  	s25 =	simm.s32 $0x180;
	s24 =	simm.s32 $0x400;
	[sflag:s13] =	ssyncadd.s32 $0xFFFFC000  }
.LBB2_2:
0x33: {  	[tilespmem:s17], [sflag:$0x2] =	stream.indirect.gather [hbm4b:s4+s15], $0x80, s25, s15, $0xb8;
	[tilespmem:$0x1E800] =	vst v63  }
0x34: {  	s25 =	smov.u32 s24  }
0x35: {  	p0 =	sne.s32 s24, $0x4800;
	s24 =	sadd.s32 $0x400, s24;
	_ =	swait.ge [sflag:s18], $0x4000  }
0x36: {  	s25 =	sshra.s32 s25, $0x2;
	[sflag:s18] =	ssyncset.done $0x0  }
0x37: {  	s26 =	sadd.s32 $0x1400, s25;
	[sflag:s18] =	ssyncadd.s32 $0xFFFFC000  }
0x38: {  	[spmem:s1] =	stream.indirect.scatter.add.f32 [tilespmem:s16], [sflag:$0x3], $0x80, s26, s15, $0xb8;
	[tilespmem:$0x1E800] =	vst v63  }
0x39: {  	_ =	swait.ge [sflag:s13], $0x4000  }
0x3a: {  	[sflag:s13] =	ssyncset.done $0x0  }
0x3b: {  	s26 =	sadd.s32 $0x100, s25;
	[sflag:s13] =	ssyncadd.s32 $0xFFFFC000  }
0x3c: {  	[tilespmem:s16], [sflag:$0x1] =	stream.indirect.gather [hbm4b:s4+s15], $0x80, s26, s15, $0xb8;
	[tilespmem:$0x1E800] =	vst v63  }
0x3d: {  	_ =	swait.ge [sflag:s19], $0x4000  }
0x3e: {  	[sflag:s19] =	ssyncset.done $0x0  }
.Ltmp0:
0x3f: {  	s26 =	sadd.s32 $0x1480, s25;
	[sflag:s19] =	ssyncadd.s32 $0xFFFFC000;
	(pc) =	sbr.rel @p0 .LBB2_2-.Ltmp0, $4  }
0x40: {  	[spmem:s1] =	stream.indirect.scatter.add.f32 [tilespmem:s17], [sflag:$0x3], $0x80, s26, s15, $0xb8;
	[tilespmem:$0x1E800] =	vst v63  }
0x41: {  	_ =	swait.ge [sflag:s13], $0x4000  }
0x42: {  	[sflag:s13] =	ssyncset.done $0x0  }
0x43: {  	s25 =	sadd.s32 $0x180, s25;
	[sflag:s13] =	ssyncadd.s32 $0xFFFFC000  }
0x44: {  	[tilespmem:s17], [sflag:$0x2] =	stream.indirect.gather [hbm4b:s4+s15], $0x80, s25, s15, $0xb8;
	[tilespmem:$0x1E800] =	vst v63  }
0x45: {  	_ =	swait.ge [sflag:s18], $0x4000  }
0x46: {  	[sflag:s18] =	ssyncset.done $0x0  }
0x47: {  	[sflag:s18] =	ssyncadd.s32 $0xFFFFC000  }
0x48: {  	[spmem:s1] =	stream.indirect.scatter.add.f32 [tilespmem:s16], [sflag:$0x3], $0x80, s20, s15, $0xb8;
	[tilespmem:$0x1E800] =	vst v63  }
0x49: {  	_ =	swait.ge [sflag:s13], $0x4000  }
0x4a: {  	[sflag:s13] =	ssyncset.done $0x0  }
0x4b: {  	[sflag:s13] =	ssyncadd.s32 $0xFFFFC000  }
0x4c: {  	_ =	swait.ge [sflag:s19], $0x4000  }
0x4d: {  	[sflag:s19] =	ssyncset.done $0x0  }
0x4e: {  	[sflag:s19] =	ssyncadd.s32 $0xFFFFC000  }
0x4f: {  	[spmem:s1] =	stream.indirect.scatter.add.f32 [tilespmem:s17], [sflag:$0x3], $0x80, s21, s15, $0xb8;
	[tilespmem:$0x1E800] =	vst v63  }
0x50: {  	_ =	swait.ge [sflag:s13], $0x4000  }
0x51: {  	[sflag:s13] =	ssyncset.done $0x0  }
0x52: {  	s24 =	simm.s32 $0x0;
	[sflag:s13] =	ssyncadd.s32 $0xFFFFC000  }
0x53: {  	[tilespmem:s24], [sflag:$0x3] =	stream.linear.gather [hbm4b:s8+s24], $0x1400, $0x38;
	[tilespmem:$0x1E800] =	vst v63  }
0x54: {  	_ =	swait.ge [sflag:s13], $0x1400  }
0x55: {  	[sflag:s13] =	ssyncset.done $0x0  }
0x56: {  	[sflag:s13] =	ssyncadd.s32 $0xFFFFEC00  }
0x57: {  	[tilespmem:s14], [sflag:$0x3] =	stream.linear.gather [hbm4b:s9+s24], $0x1400, $0x38;
	[tilespmem:$0x1E800] =	vst v63  }
0x58: {  	_ =	swait.ge [sflag:s13], $0x1400  }
0x59: {  	[sflag:s13] =	ssyncset.done $0x0  }
0x5a: {  	[sflag:s13] =	ssyncadd.s32 $0xFFFFEC00  }
0x5b: {  	[tilespmem:s16], [sflag:$0x1] =	stream.indirect.gather [hbm4b:s4+s15], $0x80, s24, s15, $0xb8;
	[tilespmem:$0x1E800] =	vst v63  }
0x5c: {  	_ = 	snop  }
0x5d: {  	[tilespmem:s17], [sflag:$0x2] =	stream.indirect.gather [hbm4b:s4+s15], $0x80, s15, s15, $0xb8;
	[tilespmem:$0x1E800] =	vst v63  }
0x5e: {  	_ =	swait.ge [sflag:s18], $0x4000  }
0x5f: {  	[sflag:s18] =	ssyncset.done $0x0  }
0x60: {  	s29 =	simm.s32 $0x1400;
	[sflag:s18] =	ssyncadd.s32 $0xFFFFC000  }
0x61: {  	[spmem:s1] =	stream.indirect.scatter.add.f32 [tilespmem:s16], [sflag:$0x3], $0x80, s29, s15, $0xb8;
	[tilespmem:$0x1E800] =	vst v63  }
0x62: {  	_ =	swait.ge [sflag:s13], $0x4000  }
0x63: {  	[sflag:s13] =	ssyncset.done $0x0  }
0x64: {  	s30 =	simm.s32 $0x100;
	[sflag:s13] =	ssyncadd.s32 $0xFFFFC000  }
0x65: {  	[tilespmem:s16], [sflag:$0x1] =	stream.indirect.gather [hbm4b:s4+s15], $0x80, s30, s15, $0xb8;
	[tilespmem:$0x1E800] =	vst v63  }
0x66: {  	_ =	swait.ge [sflag:s19], $0x4000  }
0x67: {  	[sflag:s19] =	ssyncset.done $0x0  }
0x68: {  	s31 =	simm.s32 $0x1480;
	[sflag:s19] =	ssyncadd.s32 $0xFFFFC000  }
0x69: {  	[spmem:s1] =	stream.indirect.scatter.add.f32 [tilespmem:s17], [sflag:$0x3], $0x80, s31, s15, $0xb8;
	[tilespmem:$0x1E800] =	vst v63  }
0x6a: {  	_ =	swait.ge [sflag:s13], $0x4000  }
0x6b: {  	[sflag:s13] =	ssyncset.done $0x0  }
0x6c: {  	s25 =	simm.s32 $0x180;
	s24 =	simm.s32 $0x400;
	[sflag:s13] =	ssyncadd.s32 $0xFFFFC000  }
.LBB2_4:
0x6d: {  	[tilespmem:s17], [sflag:$0x2] =	stream.indirect.gather [hbm4b:s4+s15], $0x80, s25, s15, $0xb8;
	[tilespmem:$0x1E800] =	vst v63  }
0x6e: {  	s25 =	smov.u32 s24  }
0x6f: {  	p0 =	sne.s32 s24, $0x4800;
	s24 =	sadd.s32 $0x400, s24;
	_ =	swait.ge [sflag:s18], $0x4000  }
0x70: {  	s25 =	sshra.s32 s25, $0x2;
	[sflag:s18] =	ssyncset.done $0x0  }
0x71: {  	s26 =	sadd.s32 $0x1400, s25;
	[sflag:s18] =	ssyncadd.s32 $0xFFFFC000  }
0x72: {  	[spmem:s1] =	stream.indirect.scatter.add.f32 [tilespmem:s16], [sflag:$0x3], $0x80, s26, s15, $0xb8;
	[tilespmem:$0x1E800] =	vst v63  }
0x73: {  	_ =	swait.ge [sflag:s13], $0x4000  }
0x74: {  	[sflag:s13] =	ssyncset.done $0x0  }
0x75: {  	s26 =	sadd.s32 $0x100, s25;
	[sflag:s13] =	ssyncadd.s32 $0xFFFFC000  }
0x76: {  	[tilespmem:s16], [sflag:$0x1] =	stream.indirect.gather [hbm4b:s4+s15], $0x80, s26, s15, $0xb8;
	[tilespmem:$0x1E800] =	vst v63  }
0x77: {  	_ =	swait.ge [sflag:s19], $0x4000  }
0x78: {  	[sflag:s19] =	ssyncset.done $0x0  }
.Ltmp1:
0x79: {  	s26 =	sadd.s32 $0x1480, s25;
	[sflag:s19] =	ssyncadd.s32 $0xFFFFC000;
	(pc) =	sbr.rel @p0 .LBB2_4-.Ltmp1, $4  }
0x7a: {  	[spmem:s1] =	stream.indirect.scatter.add.f32 [tilespmem:s17], [sflag:$0x3], $0x80, s26, s15, $0xb8;
	[tilespmem:$0x1E800] =	vst v63  }
0x7b: {  	_ =	swait.ge [sflag:s13], $0x4000  }
0x7c: {  	[sflag:s13] =	ssyncset.done $0x0  }
0x7d: {  	s25 =	sadd.s32 $0x180, s25;
	[sflag:s13] =	ssyncadd.s32 $0xFFFFC000  }
0x7e: {  	[tilespmem:s17], [sflag:$0x2] =	stream.indirect.gather [hbm4b:s4+s15], $0x80, s25, s15, $0xb8;
	[tilespmem:$0x1E800] =	vst v63  }
0x7f: {  	_ =	swait.ge [sflag:s18], $0x4000  }
0x80: {  	[sflag:s18] =	ssyncset.done $0x0  }
0x81: {  	[sflag:s18] =	ssyncadd.s32 $0xFFFFC000  }
0x82: {  	[spmem:s1] =	stream.indirect.scatter.add.f32 [tilespmem:s16], [sflag:$0x3], $0x80, s20, s15, $0xb8;
	[tilespmem:$0x1E800] =	vst v63  }
0x83: {  	_ =	swait.ge [sflag:s13], $0x4000  }
0x84: {  	[sflag:s13] =	ssyncset.done $0x0  }
0x85: {  	[sflag:s13] =	ssyncadd.s32 $0xFFFFC000  }
0x86: {  	_ =	swait.ge [sflag:s19], $0x4000  }
0x87: {  	[sflag:s19] =	ssyncset.done $0x0  }
0x88: {  	[sflag:s19] =	ssyncadd.s32 $0xFFFFC000  }
0x89: {  	[spmem:s1] =	stream.indirect.scatter.add.f32 [tilespmem:s17], [sflag:$0x3], $0x80, s21, s15, $0xb8;
	[tilespmem:$0x1E800] =	vst v63  }
0x8a: {  	_ =	swait.ge [sflag:s13], $0x4000  }
0x8b: {  	s23 =	sadd.s32 $0x1, s23;
	[sflag:s13] =	ssyncset.done $0x0  }
0x8c: {  	p0 =	sne.s32 s23, s10;
	[sflag:s13] =	ssyncadd.s32 $0xFFFFC000  }
.Ltmp2:
0x8d: {  	[bflag:$0x0] =	sbarrier.arrive $0xFFFF;
	(pc) =	sbr.rel @p0 .LBB2_1-.Ltmp2, $4  }
0x8e: {  	[hbm:s22], [sflag:s11] =	dma.local [spmem:s12], $0x2800  }
0x8f: {  	_ =	swait.ge [sflag:s13], $0x2800  }
0x90: {  	[sflag:s13] =	ssyncset.done $0x0  }
0x91: {  	[sflag:s13] =	ssyncadd.s32 $0xFFFFD800  }
0x92: {  	_ =	sfence.sel $0x180000  }
0x93: {  	[bflag:$0x0] =	sbarrier.arrive $0xFFFF  }
0x94: {  	p0 =	sne.s32 s3, $0x0;
	_ =	strace $0x9000004A  }
0x95: {  	s0 =	sadd.s32 @!p0 $0x100000, s0;
	[bflag:$0x2] =	sbarrier.arrive $0xFFFF  }
0x96: {  	[sflag:s0] =	ssyncadd.tile.s32 @!p0 $0x1;
	_ =	shalt  }
.Lfunc_end2:
_tile_overlayer_lowered:
.L_overlay_start_2:
0x97: {  	(tag) =	ssettag $0x2  }
0x98: {  	s0 =	rddreg [dreg:$0x0];
	s2 =	stileid.u32  }
0x99: {  	s1 =	rddreg [dreg:$0x1];
	p0 =	sne.s32 s2, $0x0  }
0x9a: {  	s3 =	rddreg [dreg:$0x2];
	[bflag:$0x3] =	sbarrier.arrive $0xFFFF;
	s2 =	simm.s32 @!p0 $0x1C03  }
0x9b: {  	[timem:s3], [sflag:s2] =	dma.local @!p0 [hbm:s0], s1  }
0x9c: {  	s0 =	simm.s32 @!p0 $0x3  }
0x9d: {  	_ =	swait.ge @!p0 [sflag:s0], s1  }
0x9e: {  	s1 =	ssub.s32 @!p0 $0x0, s1;
	[sflag:s0] =	ssyncset.done @!p0 $0x0  }
0x9f: {  	[sflag:s0] =	ssyncadd.s32 @!p0 s1  }
0xa0: {  	[bflag:$0x3] =	sbarrier.arrive $0xFFFF  }
0xa1: {  	_ =	shalt  }

// kernel: kernel.14.cloned.1.call-start
scs
__scs_entry_jumppad:
0x0: {  	(pc) =	sbr.rel $0x88, $3  }
0x1: {  	(tag) =	ssettag $0x0;
	lr =	simm.s32 $0x1  }
0x2: {  	[smem:$0x3F9B] =	sst lr;
	_ =	strace $0xD0000000  }
0x3: {  	_ = 	snop  }
0x4: {  	_ = 	snop  }
0x5: {  	_ = 	snop  }
0x6: {  	_ = 	snop  }
0x7: {  	_ = 	snop  }
__scs_overlays_trampoline_lowered:
0x8: {  	[smem:$0x3FAA] =	sst s0  }
0x9: {  	[smem:$0x3FAB] =	sst s1  }
0xa: {  	[smem:$0x3FAC] =	sst s2  }
0xb: {  	[smem:$0x3FAD] =	sst s3  }
0xc: {  	[smem:$0x3FAE] =	sst s4  }
0xd: {  	[smem:$0x3FAF] =	sst s5  }
0xe: {  	[smem:$0x3FB0] =	sst s6  }
0xf: {  	[smem:$0x3FB1] =	sst s7  }
0x10: {  	[smem:$0x3FB2] =	sst s8  }
0x11: {  	[smem:$0x3FB3] =	sst s9;
	s0 =	simm.s32 @!p0 $0x0  }
0x12: {  	s1 =	sld [smem:$0x3F99];
	s0 =	simm.s32 @p0 $0x1  }
0x13: {  	[smem:$0x3FB4] =	sst s0;
	s0 =	simm.s32 @!p1 $0x0  }
0x14: {  	s2 =	sld [smem:$0x3F98];
	s0 =	simm.s32 @p1 $0x1  }
0x15: {  	[smem:$0x3FB5] =	sst s0;
	s0 =	simm.s32 @!p2 $0x0  }
0x16: {  	s3 =	sld [smem:$0x3FDB];
	s0 =	simm.s32 @p2 $0x1  }
0x17: {  	s4 =	simm.s32 $0x1BF5;
	[smem:$0x3FB7] =	sst s0  }
0x18: {  	s0 =	sld [smem:$0x3F9A];
	_ =	swait.ge [sflag:s4], $0x0  }
0x19: {  	s7 =	sld [smem:$0x3F9B]  }
0x1a: {  	s8 =	sadd.s32 $0xFFFFE003, lr  }
0x1b: {  	s9 =	sadd.s32 $0xFFFFFEF7, lr;
	s5 =	simm.s32 $0xFFFFFFFF;
	p2 =	slt.u32 s8, $0xFFFFF086  }
0x1c: {  	p1 =	slt.u32 s9, $0xF7A;
	s5 =	simm.s32 @!p2 $0x0  }
0x1d: {  	s5 =	simm.s32 @p1 $0x1;
	p0 =	seq.s32 s7, s2  }
0x1e: {  	s7 =	smul.u32 @!p0 $0xF7A, s2;
	p2 =	seq.s32 @!p0 s5, $0x0  }
0x1f: {  	s9 =	smul.u32 $0xF7A, s1;
	s8 =	simm.s32 @!p0 $0x1BF5;
	p2 =	por !p2, p0  }
0x20: {  	[sflag:s8] =	ssyncset.s32 @!p0 $0xFFFFF086;
	s6 =	sadd.s32 @!p0 s3, s7;
	s7 =	simm.s32 @!p0 $0x108  }
0x21: {  	s3 =	sadd.s32 s3, s9;
	s6 =	sadd.s32 @!p0 $0x88, s6;
	s7 =	simm.s32 @p2 $0x1082  }
0x22: {  	[simem:s7], [sflag:s8] =	dma.local @!p0 [hbm:s6], $0xF7A  }
0x23: {  	s9 =	sor.u32 $0xD0000000, s2;
	s6 =	simm.s32 $0x108;
	_ =	swait.ge @!p0 [sflag:s8], $0x0  }
0x24: {  	s3 =	sadd.s32 $0x88, s3;
	s6 =	simm.s32 @!p1 $0x1082;
	[sflag:s4] =	ssyncset.s32 $0xFFFFF086  }
0x25: {  	[simem:s6], [sflag:s4] =	dma.local [hbm:s3], $0xF7A  }
0x26: {  	[smem:$0x3F9B] =	sst s1;
	(tag) =	ssettag s2;
	_ =	strace s9  }
0x27: {  	s1 =	sld [smem:$0x3FAB]  }
0x28: {  	s2 =	sld [smem:$0x3FAC]  }
0x29: {  	s4 =	sld [smem:$0x3FAE]  }
0x2a: {  	p0 =	seq.s32 s5, $0x0;
	s5 =	sld [smem:$0x3FAF]  }
0x2b: {  	s6 =	sld [smem:$0x3FB0]  }
0x2c: {  	s7 =	sld [smem:$0x3FB1]  }
0x2d: {  	s3 =	simm.s32 $0x108;
	s8 =	sld [smem:$0x3FB2]  }
0x2e: {  	s3 =	simm.s32 @!p0 $0x1082;
	s9 =	sld [smem:$0x3FB3]  }
0x2f: {  	lr =	sadd.s32 s0, s3;
	s0 =	sld [smem:$0x3FAA]  }
0x30: {  	s3 =	sld [smem:$0x3FAD]  }
0x31: {  	[smem:$0x3FB6] =	sst s10  }
0x32: {  	s10 =	sld [smem:$0x3FB4];
	_ =	sdelay $0x3  }
0x33: {  	p0 =	seq.s32 s10, $0x1;
	s10 =	sld [smem:$0x3FB6];
	_ =	sdelay $0x3  }
0x34: {  	[smem:$0x3FB6] =	sst s10  }
0x35: {  	s10 =	sld [smem:$0x3FB5];
	_ =	sdelay $0x3  }
0x36: {  	p1 =	seq.s32 s10, $0x1;
	s10 =	sld [smem:$0x3FB6];
	_ =	sdelay $0x3  }
0x37: {  	[smem:$0x3FB6] =	sst s10  }
0x38: {  	s10 =	sld [smem:$0x3FB7]  }
0x39: {  	_ = 	snop;
	(pc) =	sbr.ind lr, $3  }
0x3a: {  	_ = 	snop  }
0x3b: {  	_ = 	snop  }
0x3c: {  	p2 =	seq.s32 s10, $0x1;
	s10 =	sld [smem:$0x3FB6]  }
0x3d: {  	_ =	shalt  }
0x3e: {  	_ =	shalt  }
0x3f: {  	_ =	shalt  }
0x40: {  	_ =	shalt  }
0x41: {  	_ =	shalt  }
0x42: {  	_ =	shalt  }
0x43: {  	_ =	shalt  }
0x44: {  	_ =	shalt  }
0x45: {  	_ =	shalt  }
0x46: {  	_ =	shalt  }
0x47: {  	_ =	shalt  }
0x48: {  	_ =	shalt  }
0x49: {  	_ =	shalt  }
0x4a: {  	_ =	shalt  }
0x4b: {  	_ =	shalt  }
0x4c: {  	_ =	shalt  }
0x4d: {  	_ =	shalt  }
0x4e: {  	_ =	shalt  }
0x4f: {  	_ =	shalt  }
0x50: {  	_ =	shalt  }
0x51: {  	_ =	shalt  }
0x52: {  	_ =	shalt  }
0x53: {  	_ =	shalt  }
0x54: {  	_ =	shalt  }
0x55: {  	_ =	shalt  }
0x56: {  	_ =	shalt  }
0x57: {  	_ =	shalt  }
0x58: {  	_ =	shalt  }
0x59: {  	_ =	shalt  }
0x5a: {  	_ =	shalt  }
0x5b: {  	_ =	shalt  }
0x5c: {  	_ =	shalt  }
0x5d: {  	_ =	shalt  }
0x5e: {  	_ =	shalt  }
0x5f: {  	_ =	shalt  }
0x60: {  	_ =	shalt  }
0x61: {  	_ =	shalt  }
0x62: {  	_ =	shalt  }
0x63: {  	_ =	shalt  }
0x64: {  	_ =	shalt  }
0x65: {  	_ =	shalt  }
0x66: {  	_ =	shalt  }
0x67: {  	_ =	shalt  }
0x68: {  	_ =	shalt  }
0x69: {  	_ =	shalt  }
0x6a: {  	_ =	shalt  }
0x6b: {  	_ =	shalt  }
0x6c: {  	_ =	shalt  }
0x6d: {  	_ =	shalt  }
0x6e: {  	_ =	shalt  }
0x6f: {  	_ =	shalt  }
0x70: {  	_ =	shalt  }
0x71: {  	_ =	shalt  }
0x72: {  	_ =	shalt  }
0x73: {  	_ =	shalt  }
0x74: {  	_ =	shalt  }
0x75: {  	_ =	shalt  }
0x76: {  	_ =	shalt  }
0x77: {  	_ =	shalt  }
0x78: {  	_ =	shalt  }
0x79: {  	_ =	shalt  }
0x7a: {  	_ =	shalt  }
0x7b: {  	_ =	shalt  }
0x7c: {  	_ =	shalt  }
0x7d: {  	_ =	shalt  }
0x7e: {  	_ =	shalt  }
0x7f: {  	_ =	shalt  }
0x80: {  	_ =	shalt  }
0x81: {  	_ =	shalt  }
0x82: {  	_ =	shalt  }
0x83: {  	_ =	shalt  }
0x84: {  	_ =	shalt  }
0x85: {  	_ =	shalt  }
0x86: {  	_ =	shalt  }
0x87: {  	_ =	shalt  }
.Lfunc_end0:
.L_simem_size_0:
called_computation.2_lowered:
.L_overlay_start_0:
0x88: {  	s2 =	sld [smem:$0x3FD9]  }
0x89: {  	s3 =	sld [smem:$0x3FFE];
	_ =	sdelay $0x1  }
0x8a: {  	s1 =	srdreg.scid  }
0x8b: {  	s0 =	sand.u32 $0x1, s1  }
0x8c: {  	s17 =	sshll.u32 s0, $0xA;
	s2 =	sadd.s32 s3, s2  }
0x8d: {  	s2 =	sadd.s32 s2, s17  }
0x8e: {  	[smem:$0x3FC2] =	sst s2  }
0x8f: {  	_ = 	snop  }
0x90: {  	s2 =	sld [smem:$0x3FD0];
	(tm) =	ssettm $0x1  }
0x91: {  	s18 =	sld [smem:$0x3FFB];
	_ =	sdelay $0x3  }
0x92: {  	_ =	strace s18  }
0x93: {  	s3 =	sld [smem:$0x3FFC];
	_ =	sdelay $0x3  }
0x94: {  	_ =	strace s3  }
0x95: {  	s3 =	sld [smem:$0x3FFD];
	_ =	sdelay $0x3  }
0x96: {  	_ =	strace s3  }
0x97: {  	_ =	strace $0x8FFFFFFF  }
0x98: {  	s19 =	sld [smem:$0x3FDB];
	_ =	sdelay $0x1  }
0x99: {  	s4 =	simm.s32 $_scs_section_size  }
0x9a: {  	s5 =	simm.s32 $_size__tile_overlayer_lowered;
	s6 =	simm.s32 $_tile_overlayer_lowered  }
0x9b: {  	s22 =	simm.s32 $0x1BFF;
	s21 =	sshll.u32 s6, $0x1;
	s3 =	sadd.s32 s4, s19  }
0x9c: {  	s7 =	simm.s32 $0x0;
	s20 =	sshll.u32 s5, $0x1;
	s5 =	sadd.s32 s21, s3  }
0x9d: {  	[timem:s7], [sflag:s22] =	dma.local [hbm:s5], s20  }
0x9e: {  	_ =	swait.ge [sflag:s22], s20  }
0x9f: {  	s4 =	ssub.s32 $0x0, s20;
	[sflag:s22] =	ssyncset.done $0x0  }
0xa0: {  	[sflag:s22] =	ssyncadd.s32 s4;
	_ =	sdelay $0x1  }
0xa1: {  	s23 =	simm.s32 $0x1B8B  }
0xa2: {  	_ =	swait.ge [sflag:s23], $0x1  }
0xa3: {  	[sflag:s23] =	ssyncset.done $0x0  }
0xa4: {  	s25 =	simm.s32 $0x1B8E;
	s24 =	sld [smem:$0x3FFE];
	[sflag:s23] =	ssyncadd.s32 $0xFFFFFFFF  }
0xa5: {  	s26 =	simm.s32 $execute0_lowered;
	[smem:$0x3FD2] =	sst s25  }
0xa6: {  	s5 =	sshll.u32 s26, $0x1;
	_ =	strace $0x8000004C;
	[dreg:$0x1] =	wrdreg $0xFFFFFFFF  }
0xa7: {  	s28 =	simm.s32 $_size_execute0_lowered;
	s3 =	sadd.s32 s3, s5;
	[dreg:$0x0] =	wrdreg $0x0  }
0xa8: {  	s5 =	sshll.u32 s28, $0x1;
	[dreg:$0x2] =	wrdreg s3  }
0xa9: {  	[dreg:$0x3] =	wrdreg s5  }
0xaa: {  	[dreg:$0x4] =	wrdreg $0xC0  }
0xab: {  	_ =	task [dreg:s7], $0x5FFFF  }
0xac: {  	[dreg:$0x1] =	wrdreg $0xFFFFFFFF  }
0xad: {  	[dreg:$0x0] =	wrdreg $0x60  }
0xae: {  	[dreg:$0x2] =	wrdreg s24  }
0xaf: {  	[dreg:$0x3] =	wrdreg s2  }
0xb0: {  	[dreg:$0x4] =	wrdreg $0xA8000  }
0xb1: {  	[dreg:$0x5] =	wrdreg $0x9  }
0xb2: {  	_ =	task.clear_ibuf [dreg:s7], $0x6FFFF;
	_ =	strace $0x9000004C  }
0xb3: {  	s29 =	simm.s32 $0x9;
	_ =	strace $0x8000004E  }
0xb4: {  	_ =	swait.ge [sflag:s29], $0x1  }
0xb5: {  	[sflag:s29] =	ssyncadd.s32 $0xFFFFFFFF  }
0xb6: {  	_ =	strace $0x9000004E  }
0xb7: {  	_ =	sfence  }
0xb8: {  	s30 =	sld [smem:$0x0];
	_ =	sdelay $0x2  }
0xb9: {  	s31 =	sshll.u32 s1, $0xD;
	s1 =	sshrl.u32 s1, $0x2  }
0xba: {  	s3 =	sand.u32 $0x4000, s31;
	s1 =	sadd.s32 s1, s30  }
0xbb: {  	s0 =	sor.u32 s3, s0;
	s1 =	sshll.u32 s1, $0x11  }
0xbc: {  	s0 =	sor.u32 s1, s0  }
0xbd: {  	s0 =	sadd.s32 $0x8F2B, s0  }
0xbe: {  	[sflag:s0] =	ssyncadd.remote.s32 $0x1  }
0xbf: {  	_ =	sfence.sel $0xFFFF  }
0xc0: {  	[dreg:$0x0] =	wrdreg $0xFFFFFFFF;
	(pc) =	sbr.abs _section_cstart, $3  }
0xc1: {  	[dreg:$0x1] =	wrdreg $0xFFFFFFFF  }
0xc2: {  	_ =	task.clear_ibuf [dreg:s7], $0x2FFFF;
	_ =	strace $0x9FFFFFFF  }
0xc3: {  	(tm) =	ssettm $0x7FFFFFFF  }
tec
execute0_lowered:
.L_overlay_start_1:
0x0: {  	(tag) =	ssettag $0x1  }
0x1: {  	s5 =	rddreg [dreg:$0x0]  }
0x2: {  	s8 =	rddreg [dreg:$0x1]  }
0x3: {  	s1 =	rddreg [dreg:$0x2]  }
0x4: {  	s0 =	rddreg [dreg:$0x3];
	s2 =	simm.s32 $0x0  }
0x5: {  	s3 =	srdreg.scid;
	s16 =	simm.s32 $0x2800;
	s17 =	simm.s32 $0x6800  }
0x6: {  	s18 =	simm.s32 $0x1;
	s19 =	simm.s32 $0x2;
	s20 =	simm.s32 $0x2700  }
0x7: {  	s21 =	simm.s32 $0x2780;
	[smem:$0x7FF] =	sst s2;
	s10 =	sand.u32 $0x1, s3  }
0x8: {  	s3 =	stileid.u32;
	s4 =	sadd.s32 $0xE800, s5;
	s6 =	smul.u32 $0x28000, s10  }
0x9: {  	s9 =	sadd.s32 $0x2000, s5;
	s11 =	sadd.s32 $0xC000, s5;
	s7 =	smul.u32 $0x50000, s3  }
0xa: {  	_ =	strace $0x8000004D;
	s12 =	ssub.s32 $0x2, s10;
	s13 =	smul.u32 $0x500, s3  }
0xb: {  	p0 =	seq.s32 s10, $0x0;
	s22 =	smul.u32 $0x2800, s3;
	s31 =	sshll.u32 s3, $0x6  }
0xc: {  	s29 =	sshrl.u32 s12, $0x1;
	s14 =	sadd.s32 s6, s5;
	s30 =	sshrl.u32 s7, $0x2  }
0xd: {  	s7 =	sadd.s32 $0x5000, s13;
	s12 =	ssub.s32 s12, s29;
	s5 =	sadd.s32 s4, s22  }
0xe: {  	s15 =	sadd.s32 s30, s1;
	s7 =	smov.u32 @p0 s13;
	s23 =	sadd.s32 $0x36800, s14  }
0xf: {  	p0 =	sne.s32 s10, $0x0;
	s10 =	smax.u32 s12, $0x1;
	s14 =	simm.s32 $0x1400  }
0x10: {  	s6 =	sadd.s32 s8, s7;
	s13 =	sadd.s32 $0x280, s7;
	s7 =	sadd.s32 s9, s7  }
0x11: {  	s5 =	smov.u32 @p0 s11;
	s11 =	sor.u32 $0x1C03, s31;
	s12 =	sshrl.u32 s15, $0x3  }
0x12: {  	s15 =	simm.s32 $0x80;
	s22 =	sadd.s32 s22, s23;
	s23 =	simm.s32 $0x0  }
0x13: {  	s8 =	sadd.s32 s8, s13;
	s9 =	sadd.s32 s9, s13;
	s13 =	simm.s32 $0x3  }
.LBB2_1:
0x14: {  	[spmem:s12], [sflag:s11] =	dma.local [hbm:s5], $0x2800  }
0x15: {  	_ =	swait.ge [sflag:s13], $0x2800  }
0x16: {  	[sflag:s13] =	ssyncset.done $0x0  }
0x17: {  	[sflag:s13] =	ssyncadd.s32 $0xFFFFD800  }
0x18: {  	[bflag:$0x0] =	sbarrier.arrive $0xFFFF  }
0x19: {  	[tilespmem:s2], [sflag:$0x3] =	stream.linear.gather [hbm4b:s6+s2], $0x1400, $0x38;
	[tilespmem:$0x1E800] =	vst v63  }
0x1a: {  	_ =	swait.ge [sflag:s13], $0x1400  }
0x1b: {  	[sflag:s13] =	ssyncset.done $0x0  }
0x1c: {  	[sflag:s13] =	ssyncadd.s32 $0xFFFFEC00  }
0x1d: {  	[tilespmem:s14], [sflag:$0x3] =	stream.linear.gather [hbm4b:s7+s2], $0x1400, $0x38;
	[tilespmem:$0x1E800] =	vst v63  }
0x1e: {  	_ =	swait.ge [sflag:s13], $0x1400  }
0x1f: {  	[sflag:s13] =	ssyncset.done $0x0  }
0x20: {  	[sflag:s13] =	ssyncadd.s32 $0xFFFFEC00  }
0x21: {  	[tilespmem:s16], [sflag:$0x1] =	stream.indirect.gather [hbm4b:s4+s15], $0x80, s2, s15, $0xb8;
	[tilespmem:$0x1E800] =	vst v63  }
0x22: {  	_ = 	snop  }
0x23: {  	[tilespmem:s17], [sflag:$0x2] =	stream.indirect.gather [hbm4b:s4+s15], $0x80, s15, s15, $0xb8;
	[tilespmem:$0x1E800] =	vst v63  }
0x24: {  	_ =	swait.ge [sflag:s18], $0x4000  }
0x25: {  	[sflag:s18] =	ssyncset.done $0x0  }
0x26: {  	s24 =	simm.s32 $0x1400;
	[sflag:s18] =	ssyncadd.s32 $0xFFFFC000  }
0x27: {  	[spmem:s1] =	stream.indirect.scatter.add.f32 [tilespmem:s16], [sflag:$0x3], $0x80, s24, s15, $0xb8;
	[tilespmem:$0x1E800] =	vst v63  }
0x28: {  	_ =	swait.ge [sflag:s13], $0x4000  }
0x29: {  	[sflag:s13] =	ssyncset.done $0x0  }
0x2a: {  	s30 =	simm.s32 $0x100;
	[sflag:s13] =	ssyncadd.s32 $0xFFFFC000  }
0x2b: {  	[tilespmem:s16], [sflag:$0x1] =	stream.indirect.gather [hbm4b:s4+s15], $0x80, s30, s15, $0xb8;
	[tilespmem:$0x1E800] =	vst v63  }
0x2c: {  	_ =	swait.ge [sflag:s19], $0x4000  }
0x2d: {  	[sflag:s19] =	ssyncset.done $0x0  }
0x2e: {  	s31 =	simm.s32 $0x1480;
	[sflag:s19] =	ssyncadd.s32 $0xFFFFC000  }
0x2f: {  	[spmem:s1] =	stream.indirect.scatter.add.f32 [tilespmem:s17], [sflag:$0x3], $0x80, s31, s15, $0xb8;
	[tilespmem:$0x1E800] =	vst v63  }
0x30: {  	_ =	swait.ge [sflag:s13], $0x4000  }
0x31: {  	[sflag:s13] =	ssyncset.done $0x0  }
0x32: {  	s25 =	simm.s32 $0x180;
	s24 =	simm.s32 $0x400;
	[sflag:s13] =	ssyncadd.s32 $0xFFFFC000  }
.LBB2_2:
0x33: {  	[tilespmem:s17], [sflag:$0x2] =	stream.indirect.gather [hbm4b:s4+s15], $0x80, s25, s15, $0xb8;
	[tilespmem:$0x1E800] =	vst v63  }
0x34: {  	s25 =	smov.u32 s24  }
0x35: {  	p0 =	sne.s32 s24, $0x4800;
	s24 =	sadd.s32 $0x400, s24;
	_ =	swait.ge [sflag:s18], $0x4000  }
0x36: {  	s25 =	sshra.s32 s25, $0x2;
	[sflag:s18] =	ssyncset.done $0x0  }
0x37: {  	s26 =	sadd.s32 $0x1400, s25;
	[sflag:s18] =	ssyncadd.s32 $0xFFFFC000  }
0x38: {  	[spmem:s1] =	stream.indirect.scatter.add.f32 [tilespmem:s16], [sflag:$0x3], $0x80, s26, s15, $0xb8;
	[tilespmem:$0x1E800] =	vst v63  }
0x39: {  	_ =	swait.ge [sflag:s13], $0x4000  }
0x3a: {  	[sflag:s13] =	ssyncset.done $0x0  }
0x3b: {  	s26 =	sadd.s32 $0x100, s25;
	[sflag:s13] =	ssyncadd.s32 $0xFFFFC000  }
0x3c: {  	[tilespmem:s16], [sflag:$0x1] =	stream.indirect.gather [hbm4b:s4+s15], $0x80, s26, s15, $0xb8;
	[tilespmem:$0x1E800] =	vst v63  }
0x3d: {  	_ =	swait.ge [sflag:s19], $0x4000  }
0x3e: {  	[sflag:s19] =	ssyncset.done $0x0  }
.Ltmp0:
0x3f: {  	s26 =	sadd.s32 $0x1480, s25;
	[sflag:s19] =	ssyncadd.s32 $0xFFFFC000;
	(pc) =	sbr.rel @p0 .LBB2_2-.Ltmp0, $4  }
0x40: {  	[spmem:s1] =	stream.indirect.scatter.add.f32 [tilespmem:s17], [sflag:$0x3], $0x80, s26, s15, $0xb8;
	[tilespmem:$0x1E800] =	vst v63  }
0x41: {  	_ =	swait.ge [sflag:s13], $0x4000  }
0x42: {  	[sflag:s13] =	ssyncset.done $0x0  }
0x43: {  	s25 =	sadd.s32 $0x180, s25;
	[sflag:s13] =	ssyncadd.s32 $0xFFFFC000  }
0x44: {  	[tilespmem:s17], [sflag:$0x2] =	stream.indirect.gather [hbm4b:s4+s15], $0x80, s25, s15, $0xb8;
	[tilespmem:$0x1E800] =	vst v63  }
0x45: {  	_ =	swait.ge [sflag:s18], $0x4000  }
0x46: {  	[sflag:s18] =	ssyncset.done $0x0  }
0x47: {  	[sflag:s18] =	ssyncadd.s32 $0xFFFFC000  }
0x48: {  	[spmem:s1] =	stream.indirect.scatter.add.f32 [tilespmem:s16], [sflag:$0x3], $0x80, s20, s15, $0xb8;
	[tilespmem:$0x1E800] =	vst v63  }
0x49: {  	_ =	swait.ge [sflag:s13], $0x4000  }
0x4a: {  	[sflag:s13] =	ssyncset.done $0x0  }
0x4b: {  	[sflag:s13] =	ssyncadd.s32 $0xFFFFC000  }
0x4c: {  	_ =	swait.ge [sflag:s19], $0x4000  }
0x4d: {  	[sflag:s19] =	ssyncset.done $0x0  }
0x4e: {  	[sflag:s19] =	ssyncadd.s32 $0xFFFFC000  }
0x4f: {  	[spmem:s1] =	stream.indirect.scatter.add.f32 [tilespmem:s17], [sflag:$0x3], $0x80, s21, s15, $0xb8;
	[tilespmem:$0x1E800] =	vst v63  }
0x50: {  	_ =	swait.ge [sflag:s13], $0x4000  }
0x51: {  	[sflag:s13] =	ssyncset.done $0x0  }
0x52: {  	s24 =	simm.s32 $0x0;
	[sflag:s13] =	ssyncadd.s32 $0xFFFFC000  }
0x53: {  	[tilespmem:s24], [sflag:$0x3] =	stream.linear.gather [hbm4b:s8+s24], $0x1400, $0x38;
	[tilespmem:$0x1E800] =	vst v63  }
0x54: {  	_ =	swait.ge [sflag:s13], $0x1400  }
0x55: {  	[sflag:s13] =	ssyncset.done $0x0  }
0x56: {  	[sflag:s13] =	ssyncadd.s32 $0xFFFFEC00  }
0x57: {  	[tilespmem:s14], [sflag:$0x3] =	stream.linear.gather [hbm4b:s9+s24], $0x1400, $0x38;
	[tilespmem:$0x1E800] =	vst v63  }
0x58: {  	_ =	swait.ge [sflag:s13], $0x1400  }
0x59: {  	[sflag:s13] =	ssyncset.done $0x0  }
0x5a: {  	[sflag:s13] =	ssyncadd.s32 $0xFFFFEC00  }
0x5b: {  	[tilespmem:s16], [sflag:$0x1] =	stream.indirect.gather [hbm4b:s4+s15], $0x80, s24, s15, $0xb8;
	[tilespmem:$0x1E800] =	vst v63  }
0x5c: {  	_ = 	snop  }
0x5d: {  	[tilespmem:s17], [sflag:$0x2] =	stream.indirect.gather [hbm4b:s4+s15], $0x80, s15, s15, $0xb8;
	[tilespmem:$0x1E800] =	vst v63  }
0x5e: {  	_ =	swait.ge [sflag:s18], $0x4000  }
0x5f: {  	[sflag:s18] =	ssyncset.done $0x0  }
0x60: {  	s29 =	simm.s32 $0x1400;
	[sflag:s18] =	ssyncadd.s32 $0xFFFFC000  }
0x61: {  	[spmem:s1] =	stream.indirect.scatter.add.f32 [tilespmem:s16], [sflag:$0x3], $0x80, s29, s15, $0xb8;
	[tilespmem:$0x1E800] =	vst v63  }
0x62: {  	_ =	swait.ge [sflag:s13], $0x4000  }
0x63: {  	[sflag:s13] =	ssyncset.done $0x0  }
0x64: {  	s30 =	simm.s32 $0x100;
	[sflag:s13] =	ssyncadd.s32 $0xFFFFC000  }
0x65: {  	[tilespmem:s16], [sflag:$0x1] =	stream.indirect.gather [hbm4b:s4+s15], $0x80, s30, s15, $0xb8;
	[tilespmem:$0x1E800] =	vst v63  }
0x66: {  	_ =	swait.ge [sflag:s19], $0x4000  }
0x67: {  	[sflag:s19] =	ssyncset.done $0x0  }
0x68: {  	s31 =	simm.s32 $0x1480;
	[sflag:s19] =	ssyncadd.s32 $0xFFFFC000  }
0x69: {  	[spmem:s1] =	stream.indirect.scatter.add.f32 [tilespmem:s17], [sflag:$0x3], $0x80, s31, s15, $0xb8;
	[tilespmem:$0x1E800] =	vst v63  }
0x6a: {  	_ =	swait.ge [sflag:s13], $0x4000  }
0x6b: {  	[sflag:s13] =	ssyncset.done $0x0  }
0x6c: {  	s25 =	simm.s32 $0x180;
	s24 =	simm.s32 $0x400;
	[sflag:s13] =	ssyncadd.s32 $0xFFFFC000  }
.LBB2_4:
0x6d: {  	[tilespmem:s17], [sflag:$0x2] =	stream.indirect.gather [hbm4b:s4+s15], $0x80, s25, s15, $0xb8;
	[tilespmem:$0x1E800] =	vst v63  }
0x6e: {  	s25 =	smov.u32 s24  }
0x6f: {  	p0 =	sne.s32 s24, $0x4800;
	s24 =	sadd.s32 $0x400, s24;
	_ =	swait.ge [sflag:s18], $0x4000  }
0x70: {  	s25 =	sshra.s32 s25, $0x2;
	[sflag:s18] =	ssyncset.done $0x0  }
0x71: {  	s26 =	sadd.s32 $0x1400, s25;
	[sflag:s18] =	ssyncadd.s32 $0xFFFFC000  }
0x72: {  	[spmem:s1] =	stream.indirect.scatter.add.f32 [tilespmem:s16], [sflag:$0x3], $0x80, s26, s15, $0xb8;
	[tilespmem:$0x1E800] =	vst v63  }
0x73: {  	_ =	swait.ge [sflag:s13], $0x4000  }
0x74: {  	[sflag:s13] =	ssyncset.done $0x0  }
0x75: {  	s26 =	sadd.s32 $0x100, s25;
	[sflag:s13] =	ssyncadd.s32 $0xFFFFC000  }
0x76: {  	[tilespmem:s16], [sflag:$0x1] =	stream.indirect.gather [hbm4b:s4+s15], $0x80, s26, s15, $0xb8;
	[tilespmem:$0x1E800] =	vst v63  }
0x77: {  	_ =	swait.ge [sflag:s19], $0x4000  }
0x78: {  	[sflag:s19] =	ssyncset.done $0x0  }
.Ltmp1:
0x79: {  	s26 =	sadd.s32 $0x1480, s25;
	[sflag:s19] =	ssyncadd.s32 $0xFFFFC000;
	(pc) =	sbr.rel @p0 .LBB2_4-.Ltmp1, $4  }
0x7a: {  	[spmem:s1] =	stream.indirect.scatter.add.f32 [tilespmem:s17], [sflag:$0x3], $0x80, s26, s15, $0xb8;
	[tilespmem:$0x1E800] =	vst v63  }
0x7b: {  	_ =	swait.ge [sflag:s13], $0x4000  }
0x7c: {  	[sflag:s13] =	ssyncset.done $0x0  }
0x7d: {  	s25 =	sadd.s32 $0x180, s25;
	[sflag:s13] =	ssyncadd.s32 $0xFFFFC000  }
0x7e: {  	[tilespmem:s17], [sflag:$0x2] =	stream.indirect.gather [hbm4b:s4+s15], $0x80, s25, s15, $0xb8;
	[tilespmem:$0x1E800] =	vst v63  }
0x7f: {  	_ =	swait.ge [sflag:s18], $0x4000  }
0x80: {  	[sflag:s18] =	ssyncset.done $0x0  }
0x81: {  	[sflag:s18] =	ssyncadd.s32 $0xFFFFC000  }
0x82: {  	[spmem:s1] =	stream.indirect.scatter.add.f32 [tilespmem:s16], [sflag:$0x3], $0x80, s20, s15, $0xb8;
	[tilespmem:$0x1E800] =	vst v63  }
0x83: {  	_ =	swait.ge [sflag:s13], $0x4000  }
0x84: {  	[sflag:s13] =	ssyncset.done $0x0  }
0x85: {  	[sflag:s13] =	ssyncadd.s32 $0xFFFFC000  }
0x86: {  	_ =	swait.ge [sflag:s19], $0x4000  }
0x87: {  	[sflag:s19] =	ssyncset.done $0x0  }
0x88: {  	[sflag:s19] =	ssyncadd.s32 $0xFFFFC000  }
0x89: {  	[spmem:s1] =	stream.indirect.scatter.add.f32 [tilespmem:s17], [sflag:$0x3], $0x80, s21, s15, $0xb8;
	[tilespmem:$0x1E800] =	vst v63  }
0x8a: {  	_ =	swait.ge [sflag:s13], $0x4000  }
0x8b: {  	s23 =	sadd.s32 $0x1, s23;
	[sflag:s13] =	ssyncset.done $0x0  }
0x8c: {  	p0 =	sne.s32 s23, s10;
	[sflag:s13] =	ssyncadd.s32 $0xFFFFC000  }
.Ltmp2:
0x8d: {  	[bflag:$0x0] =	sbarrier.arrive $0xFFFF;
	(pc) =	sbr.rel @p0 .LBB2_1-.Ltmp2, $4  }
0x8e: {  	[hbm:s22], [sflag:s11] =	dma.local [spmem:s12], $0x2800  }
0x8f: {  	_ =	swait.ge [sflag:s13], $0x2800  }
0x90: {  	[sflag:s13] =	ssyncset.done $0x0  }
0x91: {  	[sflag:s13] =	ssyncadd.s32 $0xFFFFD800  }
0x92: {  	_ =	sfence.sel $0x180000  }
0x93: {  	[bflag:$0x0] =	sbarrier.arrive $0xFFFF  }
0x94: {  	p0 =	sne.s32 s3, $0x0;
	_ =	strace $0x9000004D  }
0x95: {  	s0 =	sadd.s32 @!p0 $0x100000, s0;
	[bflag:$0x2] =	sbarrier.arrive $0xFFFF  }
0x96: {  	[sflag:s0] =	ssyncadd.tile.s32 @!p0 $0x1;
	_ =	shalt  }
.Lfunc_end2:
_tile_overlayer_lowered:
.L_overlay_start_2:
0x97: {  	(tag) =	ssettag $0x2  }
0x98: {  	s0 =	rddreg [dreg:$0x0];
	s2 =	stileid.u32  }
0x99: {  	s1 =	rddreg [dreg:$0x1];
	p0 =	sne.s32 s2, $0x0  }
0x9a: {  	s3 =	rddreg [dreg:$0x2];
	[bflag:$0x3] =	sbarrier.arrive $0xFFFF;
	s2 =	simm.s32 @!p0 $0x1C03  }
0x9b: {  	[timem:s3], [sflag:s2] =	dma.local @!p0 [hbm:s0], s1  }
0x9c: {  	s0 =	simm.s32 @!p0 $0x3  }
0x9d: {  	_ =	swait.ge @!p0 [sflag:s0], s1  }
0x9e: {  	s1 =	ssub.s32 @!p0 $0x0, s1;
	[sflag:s0] =	ssyncset.done @!p0 $0x0  }
0x9f: {  	[sflag:s0] =	ssyncadd.s32 @!p0 s1  }
0xa0: {  	[bflag:$0x3] =	sbarrier.arrive $0xFFFF  }
0xa1: {  	_ =	shalt  }

// kernel: kernel.8.cloned.1.call-start
scs
__scs_entry_jumppad:
0x0: {  	(pc) =	sbr.rel $0x88, $3  }
0x1: {  	(tag) =	ssettag $0x0;
	lr =	simm.s32 $0x1  }
0x2: {  	[smem:$0x3F9B] =	sst lr;
	_ =	strace $0xD0000000  }
0x3: {  	_ = 	snop  }
0x4: {  	_ = 	snop  }
0x5: {  	_ = 	snop  }
0x6: {  	_ = 	snop  }
0x7: {  	_ = 	snop  }
__scs_overlays_trampoline_lowered:
0x8: {  	[smem:$0x3FAA] =	sst s0  }
0x9: {  	[smem:$0x3FAB] =	sst s1  }
0xa: {  	[smem:$0x3FAC] =	sst s2  }
0xb: {  	[smem:$0x3FAD] =	sst s3  }
0xc: {  	[smem:$0x3FAE] =	sst s4  }
0xd: {  	[smem:$0x3FAF] =	sst s5  }
0xe: {  	[smem:$0x3FB0] =	sst s6  }
0xf: {  	[smem:$0x3FB1] =	sst s7  }
0x10: {  	[smem:$0x3FB2] =	sst s8  }
0x11: {  	[smem:$0x3FB3] =	sst s9;
	s0 =	simm.s32 @!p0 $0x0  }
0x12: {  	s1 =	sld [smem:$0x3F99];
	s0 =	simm.s32 @p0 $0x1  }
0x13: {  	[smem:$0x3FB4] =	sst s0;
	s0 =	simm.s32 @!p1 $0x0  }
0x14: {  	s2 =	sld [smem:$0x3F98];
	s0 =	simm.s32 @p1 $0x1  }
0x15: {  	[smem:$0x3FB5] =	sst s0;
	s0 =	simm.s32 @!p2 $0x0  }
0x16: {  	s3 =	sld [smem:$0x3FDB];
	s0 =	simm.s32 @p2 $0x1  }
0x17: {  	s4 =	simm.s32 $0x1BF5;
	[smem:$0x3FB7] =	sst s0  }
0x18: {  	s0 =	sld [smem:$0x3F9A];
	_ =	swait.ge [sflag:s4], $0x0  }
0x19: {  	s7 =	sld [smem:$0x3F9B]  }
0x1a: {  	s8 =	sadd.s32 $0xFFFFE003, lr  }
0x1b: {  	s9 =	sadd.s32 $0xFFFFFEF7, lr;
	s5 =	simm.s32 $0xFFFFFFFF;
	p2 =	slt.u32 s8, $0xFFFFF086  }
0x1c: {  	p1 =	slt.u32 s9, $0xF7A;
	s5 =	simm.s32 @!p2 $0x0  }
0x1d: {  	s5 =	simm.s32 @p1 $0x1;
	p0 =	seq.s32 s7, s2  }
0x1e: {  	s7 =	smul.u32 @!p0 $0xF7A, s2;
	p2 =	seq.s32 @!p0 s5, $0x0  }
0x1f: {  	s9 =	smul.u32 $0xF7A, s1;
	s8 =	simm.s32 @!p0 $0x1BF5;
	p2 =	por !p2, p0  }
0x20: {  	[sflag:s8] =	ssyncset.s32 @!p0 $0xFFFFF086;
	s6 =	sadd.s32 @!p0 s3, s7;
	s7 =	simm.s32 @!p0 $0x108  }
0x21: {  	s3 =	sadd.s32 s3, s9;
	s6 =	sadd.s32 @!p0 $0x88, s6;
	s7 =	simm.s32 @p2 $0x1082  }
0x22: {  	[simem:s7], [sflag:s8] =	dma.local @!p0 [hbm:s6], $0xF7A  }
0x23: {  	s9 =	sor.u32 $0xD0000000, s2;
	s6 =	simm.s32 $0x108;
	_ =	swait.ge @!p0 [sflag:s8], $0x0  }
0x24: {  	s3 =	sadd.s32 $0x88, s3;
	s6 =	simm.s32 @!p1 $0x1082;
	[sflag:s4] =	ssyncset.s32 $0xFFFFF086  }
0x25: {  	[simem:s6], [sflag:s4] =	dma.local [hbm:s3], $0xF7A  }
0x26: {  	[smem:$0x3F9B] =	sst s1;
	(tag) =	ssettag s2;
	_ =	strace s9  }
0x27: {  	s1 =	sld [smem:$0x3FAB]  }
0x28: {  	s2 =	sld [smem:$0x3FAC]  }
0x29: {  	s4 =	sld [smem:$0x3FAE]  }
0x2a: {  	p0 =	seq.s32 s5, $0x0;
	s5 =	sld [smem:$0x3FAF]  }
0x2b: {  	s6 =	sld [smem:$0x3FB0]  }
0x2c: {  	s7 =	sld [smem:$0x3FB1]  }
0x2d: {  	s3 =	simm.s32 $0x108;
	s8 =	sld [smem:$0x3FB2]  }
0x2e: {  	s3 =	simm.s32 @!p0 $0x1082;
	s9 =	sld [smem:$0x3FB3]  }
0x2f: {  	lr =	sadd.s32 s0, s3;
	s0 =	sld [smem:$0x3FAA]  }
0x30: {  	s3 =	sld [smem:$0x3FAD]  }
0x31: {  	[smem:$0x3FB6] =	sst s10  }
0x32: {  	s10 =	sld [smem:$0x3FB4];
	_ =	sdelay $0x3  }
0x33: {  	p0 =	seq.s32 s10, $0x1;
	s10 =	sld [smem:$0x3FB6];
	_ =	sdelay $0x3  }
0x34: {  	[smem:$0x3FB6] =	sst s10  }
0x35: {  	s10 =	sld [smem:$0x3FB5];
	_ =	sdelay $0x3  }
0x36: {  	p1 =	seq.s32 s10, $0x1;
	s10 =	sld [smem:$0x3FB6];
	_ =	sdelay $0x3  }
0x37: {  	[smem:$0x3FB6] =	sst s10  }
0x38: {  	s10 =	sld [smem:$0x3FB7]  }
0x39: {  	_ = 	snop;
	(pc) =	sbr.ind lr, $3  }
0x3a: {  	_ = 	snop  }
0x3b: {  	_ = 	snop  }
0x3c: {  	p2 =	seq.s32 s10, $0x1;
	s10 =	sld [smem:$0x3FB6]  }
0x3d: {  	_ =	shalt  }
0x3e: {  	_ =	shalt  }
0x3f: {  	_ =	shalt  }
0x40: {  	_ =	shalt  }
0x41: {  	_ =	shalt  }
0x42: {  	_ =	shalt  }
0x43: {  	_ =	shalt  }
0x44: {  	_ =	shalt  }
0x45: {  	_ =	shalt  }
0x46: {  	_ =	shalt  }
0x47: {  	_ =	shalt  }
0x48: {  	_ =	shalt  }
0x49: {  	_ =	shalt  }
0x4a: {  	_ =	shalt  }
0x4b: {  	_ =	shalt  }
0x4c: {  	_ =	shalt  }
0x4d: {  	_ =	shalt  }
0x4e: {  	_ =	shalt  }
0x4f: {  	_ =	shalt  }
0x50: {  	_ =	shalt  }
0x51: {  	_ =	shalt  }
0x52: {  	_ =	shalt  }
0x53: {  	_ =	shalt  }
0x54: {  	_ =	shalt  }
0x55: {  	_ =	shalt  }
0x56: {  	_ =	shalt  }
0x57: {  	_ =	shalt  }
0x58: {  	_ =	shalt  }
0x59: {  	_ =	shalt  }
0x5a: {  	_ =	shalt  }
0x5b: {  	_ =	shalt  }
0x5c: {  	_ =	shalt  }
0x5d: {  	_ =	shalt  }
0x5e: {  	_ =	shalt  }
0x5f: {  	_ =	shalt  }
0x60: {  	_ =	shalt  }
0x61: {  	_ =	shalt  }
0x62: {  	_ =	shalt  }
0x63: {  	_ =	shalt  }
0x64: {  	_ =	shalt  }
0x65: {  	_ =	shalt  }
0x66: {  	_ =	shalt  }
0x67: {  	_ =	shalt  }
0x68: {  	_ =	shalt  }
0x69: {  	_ =	shalt  }
0x6a: {  	_ =	shalt  }
0x6b: {  	_ =	shalt  }
0x6c: {  	_ =	shalt  }
0x6d: {  	_ =	shalt  }
0x6e: {  	_ =	shalt  }
0x6f: {  	_ =	shalt  }
0x70: {  	_ =	shalt  }
0x71: {  	_ =	shalt  }
0x72: {  	_ =	shalt  }
0x73: {  	_ =	shalt  }
0x74: {  	_ =	shalt  }
0x75: {  	_ =	shalt  }
0x76: {  	_ =	shalt  }
0x77: {  	_ =	shalt  }
0x78: {  	_ =	shalt  }
0x79: {  	_ =	shalt  }
0x7a: {  	_ =	shalt  }
0x7b: {  	_ =	shalt  }
0x7c: {  	_ =	shalt  }
0x7d: {  	_ =	shalt  }
0x7e: {  	_ =	shalt  }
0x7f: {  	_ =	shalt  }
0x80: {  	_ =	shalt  }
0x81: {  	_ =	shalt  }
0x82: {  	_ =	shalt  }
0x83: {  	_ =	shalt  }
0x84: {  	_ =	shalt  }
0x85: {  	_ =	shalt  }
0x86: {  	_ =	shalt  }
0x87: {  	_ =	shalt  }
.Lfunc_end0:
.L_simem_size_0:
called_computation_lowered:
.L_overlay_start_0:
0x88: {  	s2 =	sld [smem:$0x3FD9]  }
0x89: {  	s3 =	sld [smem:$0x3FFE];
	_ =	sdelay $0x1  }
0x8a: {  	s1 =	srdreg.scid  }
0x8b: {  	s0 =	sand.u32 $0x1, s1  }
0x8c: {  	s17 =	sshll.u32 s0, $0xA;
	s2 =	sadd.s32 s3, s2  }
0x8d: {  	s2 =	sadd.s32 s2, s17  }
0x8e: {  	[smem:$0x3FC2] =	sst s2  }
0x8f: {  	_ = 	snop  }
0x90: {  	s2 =	sld [smem:$0x3FD0];
	(tm) =	ssettm $0x1  }
0x91: {  	s18 =	sld [smem:$0x3FFB];
	_ =	sdelay $0x3  }
0x92: {  	_ =	strace s18  }
0x93: {  	s3 =	sld [smem:$0x3FFC];
	_ =	sdelay $0x3  }
0x94: {  	_ =	strace s3  }
0x95: {  	s3 =	sld [smem:$0x3FFD];
	_ =	sdelay $0x3  }
0x96: {  	_ =	strace s3  }
0x97: {  	_ =	strace $0x8FFFFFFF  }
0x98: {  	s19 =	sld [smem:$0x3FDB];
	_ =	sdelay $0x1  }
0x99: {  	s4 =	simm.s32 $_scs_section_size  }
0x9a: {  	s5 =	simm.s32 $_size__tile_overlayer_lowered;
	s6 =	simm.s32 $_tile_overlayer_lowered  }
0x9b: {  	s22 =	simm.s32 $0x1BFF;
	s21 =	sshll.u32 s6, $0x1;
	s3 =	sadd.s32 s4, s19  }
0x9c: {  	s7 =	simm.s32 $0x0;
	s20 =	sshll.u32 s5, $0x1;
	s5 =	sadd.s32 s21, s3  }
0x9d: {  	[timem:s7], [sflag:s22] =	dma.local [hbm:s5], s20  }
0x9e: {  	_ =	swait.ge [sflag:s22], s20  }
0x9f: {  	s4 =	ssub.s32 $0x0, s20;
	[sflag:s22] =	ssyncset.done $0x0  }
0xa0: {  	[sflag:s22] =	ssyncadd.s32 s4;
	_ =	sdelay $0x1  }
0xa1: {  	s23 =	simm.s32 $0x1B8B  }
0xa2: {  	_ =	swait.ge [sflag:s23], $0x1  }
0xa3: {  	[sflag:s23] =	ssyncset.done $0x0  }
0xa4: {  	s25 =	simm.s32 $0x1B8E;
	s24 =	sld [smem:$0x3FFE];
	[sflag:s23] =	ssyncadd.s32 $0xFFFFFFFF  }
0xa5: {  	s26 =	simm.s32 $execute0_lowered;
	[smem:$0x3FD2] =	sst s25  }
0xa6: {  	s5 =	sshll.u32 s26, $0x1;
	_ =	strace $0x80000046;
	[dreg:$0x1] =	wrdreg $0xFFFFFFFF  }
0xa7: {  	s28 =	simm.s32 $_size_execute0_lowered;
	s3 =	sadd.s32 s3, s5;
	[dreg:$0x0] =	wrdreg $0x0  }
0xa8: {  	s5 =	sshll.u32 s28, $0x1;
	[dreg:$0x2] =	wrdreg s3  }
0xa9: {  	[dreg:$0x3] =	wrdreg s5  }
0xaa: {  	[dreg:$0x4] =	wrdreg $0xC0  }
0xab: {  	_ =	task [dreg:s7], $0x5FFFF  }
0xac: {  	[dreg:$0x1] =	wrdreg $0xFFFFFFFF  }
0xad: {  	[dreg:$0x0] =	wrdreg $0x60  }
0xae: {  	[dreg:$0x2] =	wrdreg s2  }
0xaf: {  	[dreg:$0x3] =	wrdreg s24  }
0xb0: {  	[dreg:$0x4] =	wrdreg $0x68000  }
0xb1: {  	[dreg:$0x5] =	wrdreg $0x9  }
0xb2: {  	_ =	task.clear_ibuf [dreg:s7], $0x6FFFF;
	_ =	strace $0x90000046  }
0xb3: {  	s29 =	simm.s32 $0x9;
	_ =	strace $0x80000048  }
0xb4: {  	_ =	swait.ge [sflag:s29], $0x1  }
0xb5: {  	[sflag:s29] =	ssyncadd.s32 $0xFFFFFFFF  }
0xb6: {  	_ =	strace $0x90000048  }
0xb7: {  	_ =	sfence  }
0xb8: {  	s30 =	sld [smem:$0x0];
	_ =	sdelay $0x2  }
0xb9: {  	s31 =	sshll.u32 s1, $0xD;
	s1 =	sshrl.u32 s1, $0x2  }
0xba: {  	s3 =	sand.u32 $0x4000, s31;
	s1 =	sadd.s32 s1, s30  }
0xbb: {  	s0 =	sor.u32 s3, s0;
	s1 =	sshll.u32 s1, $0x11  }
0xbc: {  	s0 =	sor.u32 s1, s0  }
0xbd: {  	s0 =	sadd.s32 $0x8F2B, s0  }
0xbe: {  	[sflag:s0] =	ssyncadd.remote.s32 $0x1  }
0xbf: {  	_ =	sfence.sel $0xFFFF  }
0xc0: {  	[dreg:$0x0] =	wrdreg $0xFFFFFFFF;
	(pc) =	sbr.abs _section_cstart, $3  }
0xc1: {  	[dreg:$0x1] =	wrdreg $0xFFFFFFFF  }
0xc2: {  	_ =	task.clear_ibuf [dreg:s7], $0x2FFFF;
	_ =	strace $0x9FFFFFFF  }
0xc3: {  	(tm) =	ssettm $0x7FFFFFFF  }
tec
execute0_lowered:
.L_overlay_start_1:
0x0: {  	(tag) =	ssettag $0x1  }
0x1: {  	s6 =	rddreg [dreg:$0x0]  }
0x2: {  	s7 =	rddreg [dreg:$0x1]  }
0x3: {  	s1 =	rddreg [dreg:$0x2]  }
0x4: {  	s2 =	srdreg.scid;
	s0 =	rddreg [dreg:$0x3]  }
0x5: {  	s3 =	simm.s32 $0x0;
	s5 =	sand.u32 $0x1, s2;
	s2 =	stileid.u32  }
0x6: {  	s12 =	simm.s32 $0x80;
	[smem:$0x7FF] =	sst s3;
	s8 =	smul.u32 $0x28000, s5  }
0x7: {  	s4 =	sshll.u32 s5, $0x4;
	_ =	strace $0x80000047;
	s11 =	smul.u32 $0x50000, s2  }
0x8: {  	s10 =	ssub.s32 $0x2, s5;
	s5 =	sadd.s32 $0xC000, s7;
	s14 =	smul.u32 $0x2800, s2  }
0x9: {  	s31 =	sshll.u32 s2, $0x6;
	s4 =	sor.u32 s2, s4;
	s29 =	sshrl.u32 s10, $0x1  }
0xa: {  	s9 =	smul.u32 $0x500, s4;
	s4 =	sadd.s32 $0xE800, s7;
	s7 =	sadd.s32 s8, s7  }
0xb: {  	s8 =	ssub.s32 s10, s29;
	s30 =	sshrl.u32 s11, $0x2;
	s10 =	sor.u32 $0x1C01, s31  }
0xc: {  	s11 =	sadd.s32 s30, s1;
	s13 =	sadd.s32 $0xF000, s7;
	s7 =	smax.u32 s8, $0x1  }
0xd: {  	s8 =	simm.s32 $0x1;
	s6 =	sadd.s32 s6, s9;
	s9 =	simm.s32 $0x2800  }
0xe: {  	s11 =	sshrl.u32 s11, $0x3;
	s13 =	sadd.s32 s14, s13;
	s14 =	simm.s32 $0x0  }
.LBB2_1:
0xf: {  	[tilespmem:s3], [sflag:$0x1] =	stream.linear.gather [hbm4b:s6+s3], $0x2800, $0x38;
	[tilespmem:$0x1A800] =	vst v63  }
0x10: {  	_ =	swait.ge [sflag:s8], $0x2800  }
0x11: {  	[sflag:s8] =	ssyncset.done $0x0  }
0x12: {  	[sflag:s8] =	ssyncadd.s32 $0xFFFFD800  }
0x13: {  	[tilespmem:s9], [sflag:$0x1] =	stream.linear.gather [hbm4b:s4+s3], $0x4000, $0x38;
	[tilespmem:$0x1A800] =	vst v63  }
0x14: {  	_ =	swait.ge [sflag:s8], $0x4000  }
0x15: {  	[sflag:s8] =	ssyncset.done $0x0  }
0x16: {  	[sflag:s8] =	ssyncadd.s32 $0xFFFFC000  }
0x17: {  	[spmem:s11], [sflag:s10] =	dma.local [hbm:s5], $0x2800  }
0x18: {  	_ =	swait.ge [sflag:s8], $0x2800  }
0x19: {  	[sflag:s8] =	ssyncset.done $0x0  }
0x1a: {  	[sflag:s8] =	ssyncadd.s32 $0xFFFFD800  }
0x1b: {  	s15 =	simm.s32 $0x0;
	[bflag:$0x0] =	sbarrier.arrive $0xFFFF  }
0x1c: {  	[spmem:s1] =	stream.indirect.scatter.add.f32 [tilespmem:s9], [sflag:$0x1], $0x80, s15, s12, $0xb8;
	[tilespmem:$0x1A800] =	vst v63  }
0x1d: {  	_ =	swait.ge [sflag:s8], $0x4000  }
0x1e: {  	s15 =	simm.s32 $0x200;
	[sflag:s8] =	ssyncset.done $0x0  }
.LBB2_2:
0x1f: {  	s16 =	sshra.s32 s15, $0x2;
	[sflag:s8] =	ssyncadd.s32 $0xFFFFC000;
	p0 =	sne.s32 s15, $0x9E00  }
0x20: {  	[spmem:s1] =	stream.indirect.scatter.add.f32 [tilespmem:s9], [sflag:$0x1], $0x80, s16, s12, $0xb8;
	[tilespmem:$0x1A800] =	vst v63  }
.Ltmp0:
0x21: {  	_ = 	snop;
	(pc) =	sbr.rel @p0 .LBB2_2-.Ltmp0, $4  }
0x22: {  	_ = 	snop  }
0x23: {  	s15 =	sadd.s32 $0x200, s15  }
0x24: {  	_ =	swait.ge [sflag:s8], $0x4000  }
0x25: {  	[sflag:s8] =	ssyncset.done $0x0  }
0x26: {  	s14 =	sadd.s32 $0x1, s14  }
0x27: {  	[sflag:s8] =	ssyncadd.s32 $0xFFFFC000;
	p0 =	sne.s32 s14, s7  }
.Ltmp1:
0x28: {  	[bflag:$0x0] =	sbarrier.arrive $0xFFFF;
	(pc) =	sbr.rel @p0 .LBB2_1-.Ltmp1, $4  }
0x29: {  	[hbm:s13], [sflag:s10] =	dma.local [spmem:s11], $0x2800  }
0x2a: {  	_ =	swait.ge [sflag:s8], $0x2800  }
0x2b: {  	[sflag:s8] =	ssyncset.done $0x0  }
0x2c: {  	[sflag:s8] =	ssyncadd.s32 $0xFFFFD800  }
0x2d: {  	_ =	sfence.sel $0x180000  }
0x2e: {  	[bflag:$0x0] =	sbarrier.arrive $0xFFFF  }
0x2f: {  	p0 =	sne.s32 s2, $0x0;
	_ =	strace $0x90000047  }
0x30: {  	s0 =	sadd.s32 @!p0 $0x100000, s0;
	[bflag:$0x2] =	sbarrier.arrive $0xFFFF  }
0x31: {  	[sflag:s0] =	ssyncadd.tile.s32 @!p0 $0x1;
	_ =	shalt  }
.Lfunc_end2:
_tile_overlayer_lowered:
.L_overlay_start_2:
0x32: {  	(tag) =	ssettag $0x2  }
0x33: {  	s0 =	rddreg [dreg:$0x0];
	s2 =	stileid.u32  }
0x34: {  	s1 =	rddreg [dreg:$0x1];
	p0 =	sne.s32 s2, $0x0  }
0x35: {  	s3 =	rddreg [dreg:$0x2];
	[bflag:$0x3] =	sbarrier.arrive $0xFFFF;
	s2 =	simm.s32 @!p0 $0x1C01  }
0x36: {  	[timem:s3], [sflag:s2] =	dma.local @!p0 [hbm:s0], s1  }
0x37: {  	s0 =	simm.s32 @!p0 $0x1  }
0x38: {  	_ =	swait.ge @!p0 [sflag:s0], s1  }
0x39: {  	s1 =	ssub.s32 @!p0 $0x0, s1;
	[sflag:s0] =	ssyncset.done @!p0 $0x0  }
0x3a: {  	[sflag:s0] =	ssyncadd.s32 @!p0 s1  }
0x3b: {  	[bflag:$0x3] =	sbarrier.arrive $0xFFFF  }
0x3c: {  	_ =	shalt  }

</sc_bundles>
